<compile_context>
chip_gen: v7x
topology: tpu7x:2x2x1
jax: 0.10.2.dev20260603
libtpu: 0.0.44.dev20260713+nightly
codegen_flags: <defaults>
</compile_context>

<pallas_src>
import functools

import jax
import jax.numpy as jnp
from jax import lax
from jax.experimental import pallas as pl
from jax.experimental.pallas import tpu as pltpu
from jax.experimental.pallas import tpu_sc as plsc

N_NODES = 10000
D_IN = 128
HALF = 5000
N_ACC = 10016
N_ACC_H = 5016
NUM_TILES = 32
CHUNK = 128
NCH_DEG = 80
NCH_SC = 157
NB = 3
BR = 1000


def _sc_mesh():
    return plsc.VectorSubcoreMesh(core_axis_name="c", subcore_axis_name="s")


def _deg_kernel(dst_hbm, zeros_hbm, deg_out, idx_v, ones_v, deg_sh, sem):
    cid = lax.axis_index("c")
    sid = lax.axis_index("s")
    wid = cid * 16 + sid

    @pl.when(sid == 0)
    def _():
        pltpu.sync_copy(zeros_hbm, deg_sh)

    for j in range(CHUNK // 16):
        ones_v[pl.ds(j * 16, 16)] = jnp.ones((16,), jnp.float32)
    pltpu.sync_copy(dst_hbm.at[wid], idx_v)
    plsc.subcore_barrier()

    def body(c, carry):
        pltpu.sync_copy(ones_v, deg_sh.at[idx_v.at[c]], add=True)
        return carry

    lax.fori_loop(0, NCH_DEG, body, 0)
    plsc.subcore_barrier()

    @pl.when(sid == 0)
    def _():
        pltpu.sync_copy(deg_sh, deg_out.at[cid])


LA = 2


def _scatter_kernel(z_hbm, src_hbm, dst_hbm, zeros_hbm, acc_out,
                    srcv, dstv, bufs, acc_sh, gsem, ssem):
    cid = lax.axis_index("c")
    sid = lax.axis_index("s")
    wid = cid * 16 + sid

    @pl.when(sid == 0)
    def _():
        pltpu.sync_copy(zeros_hbm, acc_sh)

    pltpu.sync_copy(src_hbm.at[wid], srcv)
    pltpu.sync_copy(dst_hbm.at[wid], dstv)
    plsc.subcore_barrier()

    def step(s, carry):
        j = lax.rem(s, NB)

        @pl.when(jnp.logical_and(s >= NB, s - NB < NCH_SC))
        def _():
            pltpu.make_async_copy(
                bufs.at[j], acc_sh.at[dstv.at[s - NB]], ssem.at[j]).wait()

        @pl.when(s < NCH_SC)
        def _():
            pltpu.async_copy(z_hbm.at[srcv.at[s]], bufs.at[j], gsem.at[j])

        @pl.when(jnp.logical_and(s >= LA, s - LA < NCH_SC))
        def _():
            c = s - LA
            jc = lax.rem(c, NB)
            pltpu.make_async_copy(
                z_hbm.at[srcv.at[c]], bufs.at[jc], gsem.at[jc]).wait()
            pltpu.async_copy(
                bufs.at[jc], acc_sh.at[dstv.at[c]], ssem.at[jc], add=True)

        return carry

    lax.fori_loop(0, NCH_SC + NB, step, 0)
    plsc.subcore_barrier()

    @pl.when(sid == 0)
    def _():
        pltpu.sync_copy(acc_sh, acc_out.at[cid])


def _scale_kernel(x_ref, d_ref, z_ref):
    deg = d_ref[:, 0:1] + d_ref[:, 1:2] + 1.0
    z_ref[...] = x_ref[...] * lax.rsqrt(deg)


def _out_kernel(a_ref, z_ref, d_ref, w_ref, b_ref, al_ref, o_ref):
    deg = d_ref[:, 0:1] + d_ref[:, 1:2] + 1.0
    s = (a_ref[0] + z_ref[...]) * lax.rsqrt(deg)
    o = jnp.dot(s, w_ref[...], preferred_element_type=jnp.float32)
    o = o + b_ref[...]
    o_ref[...] = jnp.where(o > 0, o, al_ref[...] * o)


def kernel(x, edge_index, W, b, alpha):
    n, d_in = x.shape
    e = edge_index.shape[1]
    d_out = W.shape[1]

    e_pad_deg = NUM_TILES * NCH_DEG * CHUNK
    pad16 = jnp.arange(e_pad_deg - e, dtype=jnp.int32) % 16
    dst_deg = jnp.concatenate([edge_index[1], n + pad16]).reshape(
        NUM_TILES, NCH_DEG, CHUNK)

    e_pad_sc = 16 * NCH_SC * CHUNK
    padsc = jnp.arange(e_pad_sc - e, dtype=jnp.int32) % 16
    src_h = jnp.concatenate([edge_index[0], padsc]).reshape(
        1, 16, NCH_SC, CHUNK)
    src2 = jnp.concatenate([src_h, src_h], axis=0).reshape(
        NUM_TILES, NCH_SC, CHUNK)
    dstp = jnp.concatenate([edge_index[1], n + padsc])
    junk = HALF + (jnp.arange(dstp.shape[0], dtype=jnp.int32) % 16)
    dst_lo = jnp.where(dstp < HALF, dstp, junk)
    dst_hi = jnp.where(dstp >= HALF, dstp - HALF, junk)
    dst2 = jnp.concatenate(
        [dst_lo.reshape(1, 16, NCH_SC, CHUNK),
         dst_hi.reshape(1, 16, NCH_SC, CHUNK)], axis=0
    ).reshape(NUM_TILES, NCH_SC, CHUNK)

    zeros_deg = jnp.zeros((N_ACC,), jnp.float32)
    zeros_acc = jnp.zeros((N_ACC_H, D_IN), jnp.float32)

    deg_fn = pl.kernel(
        _deg_kernel,
        out_type=jax.ShapeDtypeStruct((2, N_ACC), jnp.float32),
        mesh=_sc_mesh(),
        scratch_types=[
            pltpu.VMEM((NCH_DEG, CHUNK), jnp.int32),
            pltpu.VMEM((CHUNK,), jnp.float32),
            pltpu.VMEM_SHARED((N_ACC,), jnp.float32),
            pltpu.SemaphoreType.DMA,
        ],
    )
    deg2 = deg_fn(dst_deg, zeros_deg)

    deg_pair = deg2[:, :n].T

    grid = n // BR
    z = pl.pallas_call(
        _scale_kernel,
        grid=(grid,),
        in_specs=[
            pl.BlockSpec((BR, d_in), lambda i: (i, 0)),
            pl.BlockSpec((BR, 2), lambda i: (i, 0)),
        ],
        out_specs=pl.BlockSpec((BR, d_in), lambda i: (i, 0)),
        out_shape=jax.ShapeDtypeStruct((n, d_in), jnp.float32),
    )(x, deg_pair)

    scatter_fn = pl.kernel(
        _scatter_kernel,
        out_type=jax.ShapeDtypeStruct((2, N_ACC_H, D_IN), jnp.float32),
        mesh=_sc_mesh(),
        scratch_types=[
            pltpu.VMEM((NCH_SC, CHUNK), jnp.int32),
            pltpu.VMEM((NCH_SC, CHUNK), jnp.int32),
            pltpu.VMEM((NB, CHUNK, D_IN), jnp.float32),
            pltpu.VMEM_SHARED((N_ACC_H, D_IN), jnp.float32),
            pltpu.SemaphoreType.DMA((NB,)),
            pltpu.SemaphoreType.DMA((NB,)),
        ],
    )
    acc = scatter_fn(z, src2, dst2, zeros_acc)

    out = pl.pallas_call(
        _out_kernel,
        grid=(grid,),
        in_specs=[
            pl.BlockSpec((1, BR, d_in), lambda i: (i // 5, i % 5, 0)),
            pl.BlockSpec((BR, d_in), lambda i: (i, 0)),
            pl.BlockSpec((BR, 2), lambda i: (i, 0)),
            pl.BlockSpec((d_in, d_out), lambda i: (0, 0)),
            pl.BlockSpec((1, d_out), lambda i: (0, 0)),
            pl.BlockSpec((1, d_out), lambda i: (0, 0)),
        ],
        out_specs=pl.BlockSpec((BR, d_out), lambda i: (i, 0)),
        out_shape=jax.ShapeDtypeStruct((n, d_out), jnp.float32),
    )(acc, z, deg_pair, W, b.reshape(1, d_out), alpha.reshape(1, d_out))
    return out

# --- scband reference (transcript-rebuilt; emitter-appended) ---
"""Pipeline reference for scband-encoder-21646635172361 (READ-ONLY COPY).

The authoritative reference and input builder live on the scoring server;
editing this copy changes nothing except your own understanding.
"""

import jax, jax.numpy as jnp
import numpy as np

N = 10000
E = 320000
D_IN = 128
D_OUT = 512


def setup_inputs(seed: int = 0) -> dict:
    key = jax.random.key(seed)
    k1, k2, k3, k4, k5 = jax.random.split(key, 5)
    x = jax.random.normal(k1, (N, D_IN), dtype=jnp.float32)
    edge_index = jax.random.randint(k2, (2, E), 0, N, dtype=jnp.int32)
    # GCNConv learned params (glorot-style init) and PReLU per-channel alpha
    W = jax.random.normal(k3, (D_IN, D_OUT), dtype=jnp.float32) * (1.0 / np.sqrt(D_IN))
    b = jnp.zeros((D_OUT,), dtype=jnp.float32)
    alpha = jnp.full((D_OUT,), 0.25, dtype=jnp.float32)
    return {"x": x, "edge_index": edge_index, "W": W, "b": b, "alpha": alpha}


def reference(x, edge_index, W, b, alpha):
    # GCNConv (PyG defaults: add_self_loops=True, normalize=True, symmetric norm)
    n = x.shape[0]
    xw = x @ W
    row = edge_index[0]
    col = edge_index[1]
    loop = jnp.arange(n, dtype=row.dtype)
    src = jnp.concatenate([row, loop])
    dst = jnp.concatenate([col, loop])
    w = jnp.ones(src.shape[0], dtype=jnp.float32)
    deg = jax.ops.segment_sum(w, dst, num_segments=n)
    deg_inv_sqrt = jnp.where(deg > 0, 1.0 / jnp.sqrt(deg), 0.0)
    norm = deg_inv_sqrt[src] * deg_inv_sqrt[dst]
    msgs = norm[:, None] * jnp.take(xw, src, axis=0)
    out = jax.ops.segment_sum(msgs, dst, num_segments=n) + b
    # PReLU with per-channel parameter (num_parameters=hidden_dim)
    out = jnp.where(out > 0, out, alpha * out)
    return out

if __name__ == "__main__":
    import jax
    _d = setup_inputs()
    print(jax.jit(kernel)(*tuple(_d.values())))

</pallas_src>

<mosaic_0001>
#map = affine_map<(d0, d1) -> (0, 0)>
#map1 = affine_map<(d0, d1) -> (0, 0, 0)>
module attributes {stable_mosaic.version = 14 : i64} {
  func.func @_scatter_kernel(%arg0: i32, %arg1: i32, %arg2: memref<10000x128xf32, #tpu.memory_space<hbm>>, %arg3: memref<32x157x128xi32, #tpu.memory_space<hbm>>, %arg4: memref<32x157x128xi32, #tpu.memory_space<hbm>>, %arg5: memref<5016x128xf32, #tpu.memory_space<hbm>>, %arg6: memref<2x5016x128xf32, #tpu.memory_space<hbm>>, %arg7: memref<157x128xi32, #tpu.memory_space<vmem>>, %arg8: memref<157x128xi32, #tpu.memory_space<vmem>>, %arg9: memref<3x128x128xf32, #tpu.memory_space<vmem>>, %arg10: memref<5016x128xf32, #tpu.memory_space<vmem_shared>>, %arg11: memref<3x!tpu.dma_semaphore, #tpu.memory_space<semaphore_mem>>, %arg12: memref<3x!tpu.dma_semaphore, #tpu.memory_space<semaphore_mem>>) attributes {dimension_semantics = [#tpu.dimension_semantics<core_parallel>, #tpu.dimension_semantics<subcore_parallel>], iteration_bounds = array<i64: 2, 16>, scalar_prefetch = 0 : i64, scratch_operands = 6 : i64, tpu.core_type = #tpu.core_type<sc_vector_subcore>, window_params = [{transform_indices = #map}, {transform_indices = #map1}, {transform_indices = #map1}, {transform_indices = #map}, {transform_indices = #map1}]} {
    %mul3A = arith.constant 16 : i32
    %mul3A_0 = arith.muli %arg0, %mul3A : i32
    %add3A = arith.addi %mul3A_0, %arg1 : i32
    %eq3A = arith.constant 0 : i32
    %eq3A_1 = arith.cmpi eq, %arg1, %eq3A : i32
    %convert_element_type3A = arith.extui %eq3A_1 : i1 to i32
    %cond3A = arith.constant 0 : i32
    %cond3A_2 = arith.cmpi ne, %convert_element_type3A, %cond3A : i32
    scf.if %cond3A_2 {
      "tpu.region"() ({
        %run_scoped3A = tpu.sem_alloc : memref<!tpu.dma_semaphore, #tpu.memory_space<semaphore_mem>>
        tpu.enqueue_dma source(%arg5 : memref<5016x128xf32, #tpu.memory_space<hbm>>) target(%arg10 : memref<5016x128xf32, #tpu.memory_space<vmem_shared>>) target_semaphore(%run_scoped3A : memref<!tpu.dma_semaphore, #tpu.memory_space<semaphore_mem>>)
        tpu.wait_dma2 semaphore(%run_scoped3A : memref<!tpu.dma_semaphore, #tpu.memory_space<semaphore_mem>>) src(%arg5 : memref<5016x128xf32, #tpu.memory_space<hbm>>) dst(%arg10 : memref<5016x128xf32, #tpu.memory_space<vmem_shared>>)
        tpu.yield
      }) : () -> ()
    } else {
    }
    "tpu.region"() ({
      %run_scoped3A = tpu.sem_alloc : memref<!tpu.dma_semaphore, #tpu.memory_space<semaphore_mem>>
      %dma_start3A = arith.constant 0 : i32
      %dma_start3A_14 = arith.constant 0 : i32
      %dma_start3A_15 = tpu.memref_slice %arg3[%add3A, %dma_start3A, %dma_start3A_14] : memref<32x157x128xi32, #tpu.memory_space<hbm>> -> memref<1x157x128xi32, #tpu.memory_space<hbm>>
      %dma_start3A_16 = tpu.memref_squeeze %dma_start3A_15 : memref<1x157x128xi32, #tpu.memory_space<hbm>> -> memref<157x128xi32, #tpu.memory_space<hbm>>
      %dma_start3A_17 = arith.constant 0 : i32
      %dma_start3A_18 = arith.constant 0 : i32
      %dma_start3A_19 = tpu.memref_slice %arg3[%add3A, %dma_start3A_17, %dma_start3A_18] : memref<32x157x128xi32, #tpu.memory_space<hbm>> -> memref<1x157x128xi32, #tpu.memory_space<hbm>>
      %dma_start3A_20 = tpu.memref_squeeze %dma_start3A_19 : memref<1x157x128xi32, #tpu.memory_space<hbm>> -> memref<157x128xi32, #tpu.memory_space<hbm>>
      tpu.enqueue_dma source(%dma_start3A_20 : memref<157x128xi32, #tpu.memory_space<hbm>>) target(%arg7 : memref<157x128xi32, #tpu.memory_space<vmem>>) target_semaphore(%run_scoped3A : memref<!tpu.dma_semaphore, #tpu.memory_space<semaphore_mem>>)
      %dma_wait3A = arith.constant 0 : i32
      %dma_wait3A_21 = arith.constant 0 : i32
      %dma_wait3A_22 = tpu.memref_slice %arg3[%add3A, %dma_wait3A, %dma_wait3A_21] : memref<32x157x128xi32, #tpu.memory_space<hbm>> -> memref<1x157x128xi32, #tpu.memory_space<hbm>>
      %dma_wait3A_23 = tpu.memref_squeeze %dma_wait3A_22 : memref<1x157x128xi32, #tpu.memory_space<hbm>> -> memref<157x128xi32, #tpu.memory_space<hbm>>
      %dma_wait3A_24 = arith.constant 0 : i32
      %dma_wait3A_25 = arith.constant 0 : i32
      %dma_wait3A_26 = tpu.memref_slice %arg3[%add3A, %dma_wait3A_24, %dma_wait3A_25] : memref<32x157x128xi32, #tpu.memory_space<hbm>> -> memref<1x157x128xi32, #tpu.memory_space<hbm>>
      %dma_wait3A_27 = tpu.memref_squeeze %dma_wait3A_26 : memref<1x157x128xi32, #tpu.memory_space<hbm>> -> memref<157x128xi32, #tpu.memory_space<hbm>>
      tpu.wait_dma2 semaphore(%run_scoped3A : memref<!tpu.dma_semaphore, #tpu.memory_space<semaphore_mem>>) src(%dma_wait3A_27 : memref<157x128xi32, #tpu.memory_space<hbm>>) dst(%arg7 : memref<157x128xi32, #tpu.memory_space<vmem>>)
      tpu.yield
    }) : () -> ()
    "tpu.region"() ({
      %run_scoped3A = tpu.sem_alloc : memref<!tpu.dma_semaphore, #tpu.memory_space<semaphore_mem>>
      %dma_start3A = arith.constant 0 : i32
      %dma_start3A_14 = arith.constant 0 : i32
      %dma_start3A_15 = tpu.memref_slice %arg4[%add3A, %dma_start3A, %dma_start3A_14] : memref<32x157x128xi32, #tpu.memory_space<hbm>> -> memref<1x157x128xi32, #tpu.memory_space<hbm>>
      %dma_start3A_16 = tpu.memref_squeeze %dma_start3A_15 : memref<1x157x128xi32, #tpu.memory_space<hbm>> -> memref<157x128xi32, #tpu.memory_space<hbm>>
      %dma_start3A_17 = arith.constant 0 : i32
      %dma_start3A_18 = arith.constant 0 : i32
      %dma_start3A_19 = tpu.memref_slice %arg4[%add3A, %dma_start3A_17, %dma_start3A_18] : memref<32x157x128xi32, #tpu.memory_space<hbm>> -> memref<1x157x128xi32, #tpu.memory_space<hbm>>
      %dma_start3A_20 = tpu.memref_squeeze %dma_start3A_19 : memref<1x157x128xi32, #tpu.memory_space<hbm>> -> memref<157x128xi32, #tpu.memory_space<hbm>>
      tpu.enqueue_dma source(%dma_start3A_20 : memref<157x128xi32, #tpu.memory_space<hbm>>) target(%arg8 : memref<157x128xi32, #tpu.memory_space<vmem>>) target_semaphore(%run_scoped3A : memref<!tpu.dma_semaphore, #tpu.memory_space<semaphore_mem>>)
      %dma_wait3A = arith.constant 0 : i32
      %dma_wait3A_21 = arith.constant 0 : i32
      %dma_wait3A_22 = tpu.memref_slice %arg4[%add3A, %dma_wait3A, %dma_wait3A_21] : memref<32x157x128xi32, #tpu.memory_space<hbm>> -> memref<1x157x128xi32, #tpu.memory_space<hbm>>
      %dma_wait3A_23 = tpu.memref_squeeze %dma_wait3A_22 : memref<1x157x128xi32, #tpu.memory_space<hbm>> -> memref<157x128xi32, #tpu.memory_space<hbm>>
      %dma_wait3A_24 = arith.constant 0 : i32
      %dma_wait3A_25 = arith.constant 0 : i32
      %dma_wait3A_26 = tpu.memref_slice %arg4[%add3A, %dma_wait3A_24, %dma_wait3A_25] : memref<32x157x128xi32, #tpu.memory_space<hbm>> -> memref<1x157x128xi32, #tpu.memory_space<hbm>>
      %dma_wait3A_27 = tpu.memref_squeeze %dma_wait3A_26 : memref<1x157x128xi32, #tpu.memory_space<hbm>> -> memref<157x128xi32, #tpu.memory_space<hbm>>
      tpu.wait_dma2 semaphore(%run_scoped3A : memref<!tpu.dma_semaphore, #tpu.memory_space<semaphore_mem>>) src(%dma_wait3A_27 : memref<157x128xi32, #tpu.memory_space<hbm>>) dst(%arg8 : memref<157x128xi32, #tpu.memory_space<vmem>>)
      tpu.yield
    }) : () -> ()
    %barrier3A = arith.constant 0 : index
    tpu.barrier barrier_id(%barrier3A)
    %scan3A = arith.constant 0 : i32
    %scan3A_3 = arith.constant 0 : i32
    %scan3A_4 = arith.constant 160 : i32
    %scan3A_5 = arith.addi %scan3A_3, %scan3A_4 : i32
    %scan3A_6 = arith.constant 1 : i32
    scf.for %scan3A_14 = %scan3A_3 to %scan3A_5 step %scan3A_6  : i32 {
      %rem3A = arith.constant 3 : i32
      %rem3A_15 = arith.remsi %scan3A_14, %rem3A : i32
      %ge3A = arith.constant 3 : i32
      %ge3A_16 = arith.cmpi sge, %scan3A_14, %ge3A : i32
      %sub3A = arith.constant 3 : i32
      %sub3A_17 = arith.subi %scan3A_14, %sub3A : i32
      %lt3A = arith.constant 157 : i32
      %lt3A_18 = arith.cmpi slt, %sub3A_17, %lt3A : i32
      %and3A = arith.andi %ge3A_16, %lt3A_18 : i1
      %convert_element_type3A_19 = arith.extui %and3A : i1 to i32
      %cond3A_20 = arith.constant 0 : i32
      %cond3A_21 = arith.cmpi ne, %convert_element_type3A_19, %cond3A_20 : i32
      scf.if %cond3A_21 {
        %sub3A_37 = arith.constant 3 : i32
        %sub3A_38 = arith.subi %scan3A_14, %sub3A_37 : i32
        %dma_wait3A = arith.constant 0 : i32
        %dma_wait3A_39 = arith.constant 0 : i32
        %dma_wait3A_40 = tpu.memref_slice %arg9[%rem3A_15, %dma_wait3A, %dma_wait3A_39] : memref<3x128x128xf32, #tpu.memory_space<vmem>> -> memref<1x128x128xf32, #tpu.memory_space<vmem>>
        %dma_wait3A_41 = tpu.memref_squeeze %dma_wait3A_40 : memref<1x128x128xf32, #tpu.memory_space<vmem>> -> memref<128x128xf32, #tpu.memory_space<vmem>>
        %dma_wait3A_42 = arith.constant 0 : i32
        %dma_wait3A_43 = tpu.memref_slice %arg8[%sub3A_38, %dma_wait3A_42] : memref<157x128xi32, #tpu.memory_space<vmem>> -> memref<1x128xi32, #tpu.memory_space<vmem>>
        %dma_wait3A_44 = tpu.memref_squeeze %dma_wait3A_43 : memref<1x128xi32, #tpu.memory_space<vmem>> -> memref<128xi32, #tpu.memory_space<vmem>>
        %dma_wait3A_45 = arith.constant 0 : i32
        %dma_wait3A_46 = arith.constant 0 : i32
        %dma_wait3A_47 = tpu.memref_slice %arg10[%dma_wait3A_45, %dma_wait3A_46] : memref<5016x128xf32, #tpu.memory_space<vmem_shared>> -> memref<5016x128xf32, #tpu.memory_space<vmem_shared>>
        %dma_wait3A_48 = tpu.memref_slice %arg12[%rem3A_15] : memref<3x!tpu.dma_semaphore, #tpu.memory_space<semaphore_mem>> -> memref<1x!tpu.dma_semaphore, #tpu.memory_space<semaphore_mem>>
        %dma_wait3A_49 = tpu.memref_squeeze %dma_wait3A_48 : memref<1x!tpu.dma_semaphore, #tpu.memory_space<semaphore_mem>> -> memref<!tpu.dma_semaphore, #tpu.memory_space<semaphore_mem>>
        tpu.wait_indirect_dma semaphore(%dma_wait3A_49 : memref<!tpu.dma_semaphore, #tpu.memory_space<semaphore_mem>>) src(%dma_wait3A_41 : memref<128x128xf32, #tpu.memory_space<vmem>>) dst(%dma_wait3A_47 : memref<5016x128xf32, #tpu.memory_space<vmem_shared>>)
      } else {
      }
      %lt3A_22 = arith.constant 157 : i32
      %lt3A_23 = arith.cmpi slt, %scan3A_14, %lt3A_22 : i32
      %convert_element_type3A_24 = arith.extui %lt3A_23 : i1 to i32
      %cond3A_25 = arith.constant 0 : i32
      %cond3A_26 = arith.cmpi ne, %convert_element_type3A_24, %cond3A_25 : i32
      scf.if %cond3A_26 {
        %dma_start3A = arith.constant 0 : i32
        %dma_start3A_37 = arith.constant 0 : i32
        %dma_start3A_38 = tpu.memref_slice %arg9[%rem3A_15, %dma_start3A, %dma_start3A_37] : memref<3x128x128xf32, #tpu.memory_space<vmem>> -> memref<1x128x128xf32, #tpu.memory_space<vmem>>
        %dma_start3A_39 = tpu.memref_squeeze %dma_start3A_38 : memref<1x128x128xf32, #tpu.memory_space<vmem>> -> memref<128x128xf32, #tpu.memory_space<vmem>>
        %dma_start3A_40 = arith.constant 0 : i32
        %dma_start3A_41 = tpu.memref_slice %arg7[%scan3A_14, %dma_start3A_40] : memref<157x128xi32, #tpu.memory_space<vmem>> -> memref<1x128xi32, #tpu.memory_space<vmem>>
        %dma_start3A_42 = tpu.memref_squeeze %dma_start3A_41 : memref<1x128xi32, #tpu.memory_space<vmem>> -> memref<128xi32, #tpu.memory_space<vmem>>
        %dma_start3A_43 = arith.constant 0 : i32
        %dma_start3A_44 = arith.constant 0 : i32
        %dma_start3A_45 = tpu.memref_slice %arg2[%dma_start3A_43, %dma_start3A_44] : memref<10000x128xf32, #tpu.memory_space<hbm>> -> memref<10000x128xf32, #tpu.memory_space<hbm>>
        %dma_start3A_46 = tpu.memref_slice %arg11[%rem3A_15] : memref<3x!tpu.dma_semaphore, #tpu.memory_space<semaphore_mem>> -> memref<1x!tpu.dma_semaphore, #tpu.memory_space<semaphore_mem>>
        %dma_start3A_47 = tpu.memref_squeeze %dma_start3A_46 : memref<1x!tpu.dma_semaphore, #tpu.memory_space<semaphore_mem>> -> memref<!tpu.dma_semaphore, #tpu.memory_space<semaphore_mem>>
        tpu.enqueue_indirect_dma source(%dma_start3A_45 : memref<10000x128xf32, #tpu.memory_space<hbm>>) target(%dma_start3A_39 : memref<128x128xf32, #tpu.memory_space<vmem>>) offsets(%dma_start3A_42 : memref<128xi32, #tpu.memory_space<vmem>>) semaphore(%dma_start3A_47 : memref<!tpu.dma_semaphore, #tpu.memory_space<semaphore_mem>>)
      } else {
      }
      %ge3A_27 = arith.constant 2 : i32
      %ge3A_28 = arith.cmpi sge, %scan3A_14, %ge3A_27 : i32
      %sub3A_29 = arith.constant 2 : i32
      %sub3A_30 = arith.subi %scan3A_14, %sub3A_29 : i32
      %lt3A_31 = arith.constant 157 : i32
      %lt3A_32 = arith.cmpi slt, %sub3A_30, %lt3A_31 : i32
      %and3A_33 = arith.andi %ge3A_28, %lt3A_32 : i1
      %convert_element_type3A_34 = arith.extui %and3A_33 : i1 to i32
      %cond3A_35 = arith.constant 0 : i32
      %cond3A_36 = arith.cmpi ne, %convert_element_type3A_34, %cond3A_35 : i32
      scf.if %cond3A_36 {
        %sub3A_37 = arith.constant 2 : i32
        %sub3A_38 = arith.subi %scan3A_14, %sub3A_37 : i32
        %rem3A_39 = arith.constant 3 : i32
        %rem3A_40 = arith.remsi %sub3A_38, %rem3A_39 : i32
        %dma_wait3A = arith.constant 0 : i32
        %dma_wait3A_41 = arith.constant 0 : i32
        %dma_wait3A_42 = tpu.memref_slice %arg9[%rem3A_40, %dma_wait3A, %dma_wait3A_41] : memref<3x128x128xf32, #tpu.memory_space<vmem>> -> memref<1x128x128xf32, #tpu.memory_space<vmem>>
        %dma_wait3A_43 = tpu.memref_squeeze %dma_wait3A_42 : memref<1x128x128xf32, #tpu.memory_space<vmem>> -> memref<128x128xf32, #tpu.memory_space<vmem>>
        %dma_wait3A_44 = arith.constant 0 : i32
        %dma_wait3A_45 = tpu.memref_slice %arg7[%sub3A_38, %dma_wait3A_44] : memref<157x128xi32, #tpu.memory_space<vmem>> -> memref<1x128xi32, #tpu.memory_space<vmem>>
        %dma_wait3A_46 = tpu.memref_squeeze %dma_wait3A_45 : memref<1x128xi32, #tpu.memory_space<vmem>> -> memref<128xi32, #tpu.memory_space<vmem>>
        %dma_wait3A_47 = arith.constant 0 : i32
        %dma_wait3A_48 = arith.constant 0 : i32
        %dma_wait3A_49 = tpu.memref_slice %arg2[%dma_wait3A_47, %dma_wait3A_48] : memref<10000x128xf32, #tpu.memory_space<hbm>> -> memref<10000x128xf32, #tpu.memory_space<hbm>>
        %dma_wait3A_50 = tpu.memref_slice %arg11[%rem3A_40] : memref<3x!tpu.dma_semaphore, #tpu.memory_space<semaphore_mem>> -> memref<1x!tpu.dma_semaphore, #tpu.memory_space<semaphore_mem>>
        %dma_wait3A_51 = tpu.memref_squeeze %dma_wait3A_50 : memref<1x!tpu.dma_semaphore, #tpu.memory_space<semaphore_mem>> -> memref<!tpu.dma_semaphore, #tpu.memory_space<semaphore_mem>>
        tpu.wait_indirect_dma semaphore(%dma_wait3A_51 : memref<!tpu.dma_semaphore, #tpu.memory_space<semaphore_mem>>) src(%dma_wait3A_49 : memref<10000x128xf32, #tpu.memory_space<hbm>>) dst(%dma_wait3A_43 : memref<128x128xf32, #tpu.memory_space<vmem>>)
        %dma_start3A = arith.constant 0 : i32
        %dma_start3A_52 = arith.constant 0 : i32
        %dma_start3A_53 = tpu.memref_slice %arg9[%rem3A_40, %dma_start3A, %dma_start3A_52] : memref<3x128x128xf32, #tpu.memory_space<vmem>> -> memref<1x128x128xf32, #tpu.memory_space<vmem>>
        %dma_start3A_54 = tpu.memref_squeeze %dma_start3A_53 : memref<1x128x128xf32, #tpu.memory_space<vmem>> -> memref<128x128xf32, #tpu.memory_space<vmem>>
        %dma_start3A_55 = arith.constant 0 : i32
        %dma_start3A_56 = tpu.memref_slice %arg8[%sub3A_38, %dma_start3A_55] : memref<157x128xi32, #tpu.memory_space<vmem>> -> memref<1x128xi32, #tpu.memory_space<vmem>>
        %dma_start3A_57 = tpu.memref_squeeze %dma_start3A_56 : memref<1x128xi32, #tpu.memory_space<vmem>> -> memref<128xi32, #tpu.memory_space<vmem>>
        %dma_start3A_58 = arith.constant 0 : i32
        %dma_start3A_59 = arith.constant 0 : i32
        %dma_start3A_60 = tpu.memref_slice %arg10[%dma_start3A_58, %dma_start3A_59] : memref<5016x128xf32, #tpu.memory_space<vmem_shared>> -> memref<5016x128xf32, #tpu.memory_space<vmem_shared>>
        %dma_start3A_61 = tpu.memref_slice %arg12[%rem3A_40] : memref<3x!tpu.dma_semaphore, #tpu.memory_space<semaphore_mem>> -> memref<1x!tpu.dma_semaphore, #tpu.memory_space<semaphore_mem>>
        %dma_start3A_62 = tpu.memref_squeeze %dma_start3A_61 : memref<1x!tpu.dma_semaphore, #tpu.memory_space<semaphore_mem>> -> memref<!tpu.dma_semaphore, #tpu.memory_space<semaphore_mem>>
        tpu.enqueue_indirect_dma source(%dma_start3A_54 : memref<128x128xf32, #tpu.memory_space<vmem>>) target(%dma_start3A_60 : memref<5016x128xf32, #tpu.memory_space<vmem_shared>>) offsets(%dma_start3A_57 : memref<128xi32, #tpu.memory_space<vmem>>) semaphore(%dma_start3A_62 : memref<!tpu.dma_semaphore, #tpu.memory_space<semaphore_mem>>) {add = true}
      } else {
      }
    }
    %scan3A_7 = arith.constant 160 : i32
    %barrier3A_8 = arith.constant 0 : index
    tpu.barrier barrier_id(%barrier3A_8)
    %eq3A_9 = arith.constant 0 : i32
    %eq3A_10 = arith.cmpi eq, %arg1, %eq3A_9 : i32
    %convert_element_type3A_11 = arith.extui %eq3A_10 : i1 to i32
    %cond3A_12 = arith.constant 0 : i32
    %cond3A_13 = arith.cmpi ne, %convert_element_type3A_11, %cond3A_12 : i32
    scf.if %cond3A_13 {
      "tpu.region"() ({
        %run_scoped3A = tpu.sem_alloc : memref<!tpu.dma_semaphore, #tpu.memory_space<semaphore_mem>>
        %dma_start3A = arith.constant 0 : i32
        %dma_start3A_14 = arith.constant 0 : i32
        %dma_start3A_15 = tpu.memref_slice %arg6[%arg0, %dma_start3A, %dma_start3A_14] : memref<2x5016x128xf32, #tpu.memory_space<hbm>> -> memref<1x5016x128xf32, #tpu.memory_space<hbm>>
        %dma_start3A_16 = tpu.memref_squeeze %dma_start3A_15 : memref<1x5016x128xf32, #tpu.memory_space<hbm>> -> memref<5016x128xf32, #tpu.memory_space<hbm>>
        tpu.enqueue_dma source(%arg10 : memref<5016x128xf32, #tpu.memory_space<vmem_shared>>) target(%dma_start3A_16 : memref<5016x128xf32, #tpu.memory_space<hbm>>) target_semaphore(%run_scoped3A : memref<!tpu.dma_semaphore, #tpu.memory_space<semaphore_mem>>)
        %dma_wait3A = arith.constant 0 : i32
        %dma_wait3A_17 = arith.constant 0 : i32
        %dma_wait3A_18 = tpu.memref_slice %arg6[%arg0, %dma_wait3A, %dma_wait3A_17] : memref<2x5016x128xf32, #tpu.memory_space<hbm>> -> memref<1x5016x128xf32, #tpu.memory_space<hbm>>
        %dma_wait3A_19 = tpu.memref_squeeze %dma_wait3A_18 : memref<1x5016x128xf32, #tpu.memory_space<hbm>> -> memref<5016x128xf32, #tpu.memory_space<hbm>>
        tpu.wait_dma2 semaphore(%run_scoped3A : memref<!tpu.dma_semaphore, #tpu.memory_space<semaphore_mem>>) src(%arg10 : memref<5016x128xf32, #tpu.memory_space<vmem_shared>>) dst(%dma_wait3A_19 : memref<5016x128xf32, #tpu.memory_space<hbm>>)
        tpu.yield
      }) : () -> ()
    } else {
    }
    return
  }
}

#map = affine_map<(d0, d1) -> (0, 0, 0)>
#map1 = affine_map<(d0, d1) -> (0)>
#map2 = affine_map<(d0, d1) -> (0, 0)>
module attributes {stable_mosaic.version = 14 : i64} {
  func.func @_deg_kernel(%arg0: i32, %arg1: i32, %arg2: memref<32x80x128xi32, #tpu.memory_space<hbm>>, %arg3: memref<10016xf32, #tpu.memory_space<hbm>>, %arg4: memref<2x10016xf32, #tpu.memory_space<hbm>>, %arg5: memref<80x128xi32, #tpu.memory_space<vmem>>, %arg6: memref<128xf32, #tpu.memory_space<vmem>>, %arg7: memref<10016xf32, #tpu.memory_space<vmem_shared>>, %arg8: memref<!tpu.dma_semaphore, #tpu.memory_space<semaphore_mem>>) attributes {dimension_semantics = [#tpu.dimension_semantics<core_parallel>, #tpu.dimension_semantics<subcore_parallel>], iteration_bounds = array<i64: 2, 16>, scalar_prefetch = 0 : i64, scratch_operands = 4 : i64, tpu.core_type = #tpu.core_type<sc_vector_subcore>, window_params = [{transform_indices = #map}, {transform_indices = #map1}, {transform_indices = #map2}]} {
    %mul3A = arith.constant 16 : i32
    %mul3A_0 = arith.muli %arg0, %mul3A : i32
    %add3A = arith.addi %mul3A_0, %arg1 : i32
    %eq3A = arith.constant 0 : i32
    %eq3A_1 = arith.cmpi eq, %arg1, %eq3A : i32
    %convert_element_type3A = arith.extui %eq3A_1 : i1 to i32
    %cond3A = arith.constant 0 : i32
    %cond3A_2 = arith.cmpi ne, %convert_element_type3A, %cond3A : i32
    scf.if %cond3A_2 {
      "tpu.region"() ({
        %run_scoped3A = tpu.sem_alloc : memref<!tpu.dma_semaphore, #tpu.memory_space<semaphore_mem>>
        tpu.enqueue_dma source(%arg3 : memref<10016xf32, #tpu.memory_space<hbm>>) target(%arg7 : memref<10016xf32, #tpu.memory_space<vmem_shared>>) target_semaphore(%run_scoped3A : memref<!tpu.dma_semaphore, #tpu.memory_space<semaphore_mem>>)
        tpu.wait_dma2 semaphore(%run_scoped3A : memref<!tpu.dma_semaphore, #tpu.memory_space<semaphore_mem>>) src(%arg3 : memref<10016xf32, #tpu.memory_space<hbm>>) dst(%arg7 : memref<10016xf32, #tpu.memory_space<vmem_shared>>)
        tpu.yield
      }) : () -> ()
    } else {
    }
    %broadcast_in_dim3A = arith.constant 1.000000e+00 : f32
    %broadcast_in_dim3A_3 = vector.broadcast %broadcast_in_dim3A : f32 to vector<16xf32>
    %swap3A = arith.constant 0 : index
    %swap3A_4 = tpu.vector_load %arg6[%swap3A] {strides = array<i32>} : memref<128xf32, #tpu.memory_space<vmem>>, vector<16xf32>,
    %swap3A_5 = vector.shape_cast %swap3A_4 : vector<16xf32> to vector<16xf32>
    %swap3A_6 = vector.shape_cast %broadcast_in_dim3A_3 : vector<16xf32> to vector<16xf32>
    tpu.vector_store %arg6[%swap3A], %swap3A_6 {strides = array<i32>} : memref<128xf32, #tpu.memory_space<vmem>>, vector<16xf32>,
    %broadcast_in_dim3A_7 = arith.constant 1.000000e+00 : f32
    %broadcast_in_dim3A_8 = vector.broadcast %broadcast_in_dim3A_7 : f32 to vector<16xf32>
    %swap3A_9 = arith.constant 16 : index
    %swap3A_10 = tpu.vector_load %arg6[%swap3A_9] {strides = array<i32>} : memref<128xf32, #tpu.memory_space<vmem>>, vector<16xf32>,
    %swap3A_11 = vector.shape_cast %swap3A_10 : vector<16xf32> to vector<16xf32>
    %swap3A_12 = vector.shape_cast %broadcast_in_dim3A_8 : vector<16xf32> to vector<16xf32>
    tpu.vector_store %arg6[%swap3A_9], %swap3A_12 {strides = array<i32>} : memref<128xf32, #tpu.memory_space<vmem>>, vector<16xf32>,
    %broadcast_in_dim3A_13 = arith.constant 1.000000e+00 : f32
    %broadcast_in_dim3A_14 = vector.broadcast %broadcast_in_dim3A_13 : f32 to vector<16xf32>
    %swap3A_15 = arith.constant 32 : index
    %swap3A_16 = tpu.vector_load %arg6[%swap3A_15] {strides = array<i32>} : memref<128xf32, #tpu.memory_space<vmem>>, vector<16xf32>,
    %swap3A_17 = vector.shape_cast %swap3A_16 : vector<16xf32> to vector<16xf32>
    %swap3A_18 = vector.shape_cast %broadcast_in_dim3A_14 : vector<16xf32> to vector<16xf32>
    tpu.vector_store %arg6[%swap3A_15], %swap3A_18 {strides = array<i32>} : memref<128xf32, #tpu.memory_space<vmem>>, vector<16xf32>,
    %broadcast_in_dim3A_19 = arith.constant 1.000000e+00 : f32
    %broadcast_in_dim3A_20 = vector.broadcast %broadcast_in_dim3A_19 : f32 to vector<16xf32>
    %swap3A_21 = arith.constant 48 : index
    %swap3A_22 = tpu.vector_load %arg6[%swap3A_21] {strides = array<i32>} : memref<128xf32, #tpu.memory_space<vmem>>, vector<16xf32>,
    %swap3A_23 = vector.shape_cast %swap3A_22 : vector<16xf32> to vector<16xf32>
    %swap3A_24 = vector.shape_cast %broadcast_in_dim3A_20 : vector<16xf32> to vector<16xf32>
    tpu.vector_store %arg6[%swap3A_21], %swap3A_24 {strides = array<i32>} : memref<128xf32, #tpu.memory_space<vmem>>, vector<16xf32>,
    %broadcast_in_dim3A_25 = arith.constant 1.000000e+00 : f32
    %broadcast_in_dim3A_26 = vector.broadcast %broadcast_in_dim3A_25 : f32 to vector<16xf32>
    %swap3A_27 = arith.constant 64 : index
    %swap3A_28 = tpu.vector_load %arg6[%swap3A_27] {strides = array<i32>} : memref<128xf32, #tpu.memory_space<vmem>>, vector<16xf32>,
    %swap3A_29 = vector.shape_cast %swap3A_28 : vector<16xf32> to vector<16xf32>
    %swap3A_30 = vector.shape_cast %broadcast_in_dim3A_26 : vector<16xf32> to vector<16xf32>
    tpu.vector_store %arg6[%swap3A_27], %swap3A_30 {strides = array<i32>} : memref<128xf32, #tpu.memory_space<vmem>>, vector<16xf32>,
    %broadcast_in_dim3A_31 = arith.constant 1.000000e+00 : f32
    %broadcast_in_dim3A_32 = vector.broadcast %broadcast_in_dim3A_31 : f32 to vector<16xf32>
    %swap3A_33 = arith.constant 80 : index
    %swap3A_34 = tpu.vector_load %arg6[%swap3A_33] {strides = array<i32>} : memref<128xf32, #tpu.memory_space<vmem>>, vector<16xf32>,
    %swap3A_35 = vector.shape_cast %swap3A_34 : vector<16xf32> to vector<16xf32>
    %swap3A_36 = vector.shape_cast %broadcast_in_dim3A_32 : vector<16xf32> to vector<16xf32>
    tpu.vector_store %arg6[%swap3A_33], %swap3A_36 {strides = array<i32>} : memref<128xf32, #tpu.memory_space<vmem>>, vector<16xf32>,
    %broadcast_in_dim3A_37 = arith.constant 1.000000e+00 : f32
    %broadcast_in_dim3A_38 = vector.broadcast %broadcast_in_dim3A_37 : f32 to vector<16xf32>
    %swap3A_39 = arith.constant 96 : index
    %swap3A_40 = tpu.vector_load %arg6[%swap3A_39] {strides = array<i32>} : memref<128xf32, #tpu.memory_space<vmem>>, vector<16xf32>,
    %swap3A_41 = vector.shape_cast %swap3A_40 : vector<16xf32> to vector<16xf32>
    %swap3A_42 = vector.shape_cast %broadcast_in_dim3A_38 : vector<16xf32> to vector<16xf32>
    tpu.vector_store %arg6[%swap3A_39], %swap3A_42 {strides = array<i32>} : memref<128xf32, #tpu.memory_space<vmem>>, vector<16xf32>,
    %broadcast_in_dim3A_43 = arith.constant 1.000000e+00 : f32
    %broadcast_in_dim3A_44 = vector.broadcast %broadcast_in_dim3A_43 : f32 to vector<16xf32>
    %swap3A_45 = arith.constant 112 : index
    %swap3A_46 = tpu.vector_load %arg6[%swap3A_45] {strides = array<i32>} : memref<128xf32, #tpu.memory_space<vmem>>, vector<16xf32>,
    %swap3A_47 = vector.shape_cast %swap3A_46 : vector<16xf32> to vector<16xf32>
    %swap3A_48 = vector.shape_cast %broadcast_in_dim3A_44 : vector<16xf32> to vector<16xf32>
    tpu.vector_store %arg6[%swap3A_45], %swap3A_48 {strides = array<i32>} : memref<128xf32, #tpu.memory_space<vmem>>, vector<16xf32>,
    "tpu.region"() ({
      %run_scoped3A = tpu.sem_alloc : memref<!tpu.dma_semaphore, #tpu.memory_space<semaphore_mem>>
      %dma_start3A = arith.constant 0 : i32
      %dma_start3A_60 = arith.constant 0 : i32
      %dma_start3A_61 = tpu.memref_slice %arg2[%add3A, %dma_start3A, %dma_start3A_60] : memref<32x80x128xi32, #tpu.memory_space<hbm>> -> memref<1x80x128xi32, #tpu.memory_space<hbm>>
      %dma_start3A_62 = tpu.memref_squeeze %dma_start3A_61 : memref<1x80x128xi32, #tpu.memory_space<hbm>> -> memref<80x128xi32, #tpu.memory_space<hbm>>
      %dma_start3A_63 = arith.constant 0 : i32
      %dma_start3A_64 = arith.constant 0 : i32
      %dma_start3A_65 = tpu.memref_slice %arg2[%add3A, %dma_start3A_63, %dma_start3A_64] : memref<32x80x128xi32, #tpu.memory_space<hbm>> -> memref<1x80x128xi32, #tpu.memory_space<hbm>>
      %dma_start3A_66 = tpu.memref_squeeze %dma_start3A_65 : memref<1x80x128xi32, #tpu.memory_space<hbm>> -> memref<80x128xi32, #tpu.memory_space<hbm>>
      tpu.enqueue_dma source(%dma_start3A_66 : memref<80x128xi32, #tpu.memory_space<hbm>>) target(%arg5 : memref<80x128xi32, #tpu.memory_space<vmem>>) target_semaphore(%run_scoped3A : memref<!tpu.dma_semaphore, #tpu.memory_space<semaphore_mem>>)
      %dma_wait3A = arith.constant 0 : i32
      %dma_wait3A_67 = arith.constant 0 : i32
      %dma_wait3A_68 = tpu.memref_slice %arg2[%add3A, %dma_wait3A, %dma_wait3A_67] : memref<32x80x128xi32, #tpu.memory_space<hbm>> -> memref<1x80x128xi32, #tpu.memory_space<hbm>>
      %dma_wait3A_69 = tpu.memref_squeeze %dma_wait3A_68 : memref<1x80x128xi32, #tpu.memory_space<hbm>> -> memref<80x128xi32, #tpu.memory_space<hbm>>
      %dma_wait3A_70 = arith.constant 0 : i32
      %dma_wait3A_71 = arith.constant 0 : i32
      %dma_wait3A_72 = tpu.memref_slice %arg2[%add3A, %dma_wait3A_70, %dma_wait3A_71] : memref<32x80x128xi32, #tpu.memory_space<hbm>> -> memref<1x80x128xi32, #tpu.memory_space<hbm>>
      %dma_wait3A_73 = tpu.memref_squeeze %dma_wait3A_72 : memref<1x80x128xi32, #tpu.memory_space<hbm>> -> memref<80x128xi32, #tpu.memory_space<hbm>>
      tpu.wait_dma2 semaphore(%run_scoped3A : memref<!tpu.dma_semaphore, #tpu.memory_space<semaphore_mem>>) src(%dma_wait3A_73 : memref<80x128xi32, #tpu.memory_space<hbm>>) dst(%arg5 : memref<80x128xi32, #tpu.memory_space<vmem>>)
      tpu.yield
    }) : () -> ()
    %barrier3A = arith.constant 0 : index
    tpu.barrier barrier_id(%barrier3A)
    %scan3A = arith.constant 0 : i32
    %scan3A_49 = arith.constant 0 : i32
    %scan3A_50 = arith.constant 80 : i32
    %scan3A_51 = arith.addi %scan3A_49, %scan3A_50 : i32
    %scan3A_52 = arith.constant 1 : i32
    scf.for %scan3A_60 = %scan3A_49 to %scan3A_51 step %scan3A_52  : i32 {
      "tpu.region"() ({
        %run_scoped3A = tpu.sem_alloc : memref<!tpu.dma_semaphore, #tpu.memory_space<semaphore_mem>>
        %dma_start3A = arith.constant 0 : i32
        %dma_start3A_61 = tpu.memref_slice %arg5[%scan3A_60, %dma_start3A] : memref<80x128xi32, #tpu.memory_space<vmem>> -> memref<1x128xi32, #tpu.memory_space<vmem>>
        %dma_start3A_62 = tpu.memref_squeeze %dma_start3A_61 : memref<1x128xi32, #tpu.memory_space<vmem>> -> memref<128xi32, #tpu.memory_space<vmem>>
        %dma_start3A_63 = arith.constant 0 : i32
        %dma_start3A_64 = tpu.memref_slice %arg7[%dma_start3A_63] : memref<10016xf32, #tpu.memory_space<vmem_shared>> -> memref<10016xf32, #tpu.memory_space<vmem_shared>>
        tpu.enqueue_indirect_dma source(%arg6 : memref<128xf32, #tpu.memory_space<vmem>>) target(%dma_start3A_64 : memref<10016xf32, #tpu.memory_space<vmem_shared>>) offsets(%dma_start3A_62 : memref<128xi32, #tpu.memory_space<vmem>>) semaphore(%run_scoped3A : memref<!tpu.dma_semaphore, #tpu.memory_space<semaphore_mem>>) {add = true}
        %dma_wait3A = arith.constant 0 : i32
        %dma_wait3A_65 = tpu.memref_slice %arg5[%scan3A_60, %dma_wait3A] : memref<80x128xi32, #tpu.memory_space<vmem>> -> memref<1x128xi32, #tpu.memory_space<vmem>>
        %dma_wait3A_66 = tpu.memref_squeeze %dma_wait3A_65 : memref<1x128xi32, #tpu.memory_space<vmem>> -> memref<128xi32, #tpu.memory_space<vmem>>
        %dma_wait3A_67 = arith.constant 0 : i32
        %dma_wait3A_68 = tpu.memref_slice %arg7[%dma_wait3A_67] : memref<10016xf32, #tpu.memory_space<vmem_shared>> -> memref<10016xf32, #tpu.memory_space<vmem_shared>>
        tpu.wait_indirect_dma semaphore(%run_scoped3A : memref<!tpu.dma_semaphore, #tpu.memory_space<semaphore_mem>>) src(%arg6 : memref<128xf32, #tpu.memory_space<vmem>>) dst(%dma_wait3A_68 : memref<10016xf32, #tpu.memory_space<vmem_shared>>)
        tpu.yield
      }) : () -> ()
    }
    %scan3A_53 = arith.constant 80 : i32
    %barrier3A_54 = arith.constant 0 : index
    tpu.barrier barrier_id(%barrier3A_54)
    %eq3A_55 = arith.constant 0 : i32
    %eq3A_56 = arith.cmpi eq, %arg1, %eq3A_55 : i32
    %convert_element_type3A_57 = arith.extui %eq3A_56 : i1 to i32
    %cond3A_58 = arith.constant 0 : i32
    %cond3A_59 = arith.cmpi ne, %convert_element_type3A_57, %cond3A_58 : i32
    scf.if %cond3A_59 {
      "tpu.region"() ({
        %run_scoped3A = tpu.sem_alloc : memref<!tpu.dma_semaphore, #tpu.memory_space<semaphore_mem>>
        %dma_start3A = arith.constant 0 : i32
        %dma_start3A_60 = tpu.memref_slice %arg4[%arg0, %dma_start3A] : memref<2x10016xf32, #tpu.memory_space<hbm>> -> memref<1x10016xf32, #tpu.memory_space<hbm>>
        %dma_start3A_61 = tpu.memref_squeeze %dma_start3A_60 : memref<1x10016xf32, #tpu.memory_space<hbm>> -> memref<10016xf32, #tpu.memory_space<hbm>>
        tpu.enqueue_dma source(%arg7 : memref<10016xf32, #tpu.memory_space<vmem_shared>>) target(%dma_start3A_61 : memref<10016xf32, #tpu.memory_space<hbm>>) target_semaphore(%run_scoped3A : memref<!tpu.dma_semaphore, #tpu.memory_space<semaphore_mem>>)
        %dma_wait3A = arith.constant 0 : i32
        %dma_wait3A_62 = tpu.memref_slice %arg4[%arg0, %dma_wait3A] : memref<2x10016xf32, #tpu.memory_space<hbm>> -> memref<1x10016xf32, #tpu.memory_space<hbm>>
        %dma_wait3A_63 = tpu.memref_squeeze %dma_wait3A_62 : memref<1x10016xf32, #tpu.memory_space<hbm>> -> memref<10016xf32, #tpu.memory_space<hbm>>
        tpu.wait_dma2 semaphore(%run_scoped3A : memref<!tpu.dma_semaphore, #tpu.memory_space<semaphore_mem>>) src(%arg7 : memref<10016xf32, #tpu.memory_space<vmem_shared>>) dst(%dma_wait3A_63 : memref<10016xf32, #tpu.memory_space<hbm>>)
        tpu.yield
      }) : () -> ()
    } else {
    }
    return
  }
}

module attributes {stable_mosaic.version = 14 : i64} {
  func.func @_scale_kernel(%arg0: i32, %arg1: memref<1000x128xf32, #tpu.memory_space<vmem>>, %arg2: memref<1000x2xf32, #tpu.memory_space<vmem>>, %arg3: memref<1000x128xf32, #tpu.memory_space<vmem>>) attributes {dimension_semantics = [#tpu.dimension_semantics<arbitrary>], iteration_bounds = array<i64: 10>, scalar_prefetch = 0 : i64, scratch_operands = 0 : i64, tpu.core_type = #tpu.core_type<tc>, window_params = [{transform_indices = @transform_0, window_bounds = array<i64: 1000, 128>}, {transform_indices = @transform_1, window_bounds = array<i64: 1000, 2>}, {transform_indices = @transform_2, window_bounds = array<i64: 1000, 128>}]} {
    %get3A = arith.constant 0 : index
    %get3A_0 = arith.constant 0 : index
    %get3A_1 = vector.load %arg2[%get3A, %get3A_0] : memref<1000x2xf32, #tpu.memory_space<vmem>>, vector<1000x1xf32>
    %get3A_2 = arith.constant 0 : index
    %get3A_3 = arith.constant 1 : index
    %get3A_4 = vector.load %arg2[%get3A_2, %get3A_3] : memref<1000x2xf32, #tpu.memory_space<vmem>>, vector<1000x1xf32>
    %add3A = arith.addf %get3A_1, %get3A_4 : vector<1000x1xf32>
    %add3A_5 = arith.constant 1.000000e+00 : f32
    %add3A_6 = vector.broadcast %add3A_5 : f32 to vector<1000x1xf32>
    %add3A_7 = arith.addf %add3A, %add3A_6 : vector<1000x1xf32>
    %get3A_8 = arith.constant 0 : index
    %get3A_9 = arith.constant 0 : index
    %get3A_10 = vector.load %arg1[%get3A_8, %get3A_9] : memref<1000x128xf32, #tpu.memory_space<vmem>>, vector<1000x128xf32>
    %rsqrt3A = math.rsqrt %add3A_7 : vector<1000x1xf32>
    %mul3A = vector.broadcast %rsqrt3A : vector<1000x1xf32> to vector<1000x128xf32>
    %mul3A_11 = arith.mulf %get3A_10, %mul3A : vector<1000x128xf32>
    %swap3A = arith.constant 0 : index
    %swap3A_12 = arith.constant 0 : index
    %swap3A_13 = vector.load %arg3[%swap3A, %swap3A_12] : memref<1000x128xf32, #tpu.memory_space<vmem>>, vector<1000x128xf32>
    tpu.vector_store %arg3[%swap3A, %swap3A_12], %mul3A_11 {strides = array<i32>} : memref<1000x128xf32, #tpu.memory_space<vmem>>, vector<1000x128xf32>,
    return
  }
  func.func @transform_0(%arg0: i32) -> (i32, i32) {
    %c0_i32 = arith.constant 0 : i32
    %c0_i32_0 = arith.constant 0 : i32
    return %arg0, %c0_i32 : i32, i32
  }
  func.func @transform_1(%arg0: i32) -> (i32, i32) {
    %c0_i32 = arith.constant 0 : i32
    %c0_i32_0 = arith.constant 0 : i32
    return %arg0, %c0_i32 : i32, i32
  }
  func.func @transform_2(%arg0: i32) -> (i32, i32) {
    %c0_i32 = arith.constant 0 : i32
    %c0_i32_0 = arith.constant 0 : i32
    return %arg0, %c0_i32 : i32, i32
  }
}

module attributes {stable_mosaic.version = 14 : i64} {
  func.func @_out_kernel(%arg0: i32, %arg1: memref<1x1000x128xf32, #tpu.memory_space<vmem>>, %arg2: memref<1000x128xf32, #tpu.memory_space<vmem>>, %arg3: memref<1000x2xf32, #tpu.memory_space<vmem>>, %arg4: memref<128x512xf32, #tpu.memory_space<vmem>>, %arg5: memref<1x512xf32, #tpu.memory_space<vmem>>, %arg6: memref<1x512xf32, #tpu.memory_space<vmem>>, %arg7: memref<1000x512xf32, #tpu.memory_space<vmem>>) attributes {dimension_semantics = [#tpu.dimension_semantics<arbitrary>], iteration_bounds = array<i64: 10>, scalar_prefetch = 0 : i64, scratch_operands = 0 : i64, tpu.core_type = #tpu.core_type<tc>, window_params = [{transform_indices = @transform_0, window_bounds = array<i64: 1, 1000, 128>}, {transform_indices = @transform_1, window_bounds = array<i64: 1000, 128>}, {transform_indices = @transform_2, window_bounds = array<i64: 1000, 2>}, {pipeline_mode = #tpu.pipeline_mode<synchronous>, transform_indices = @transform_3, window_bounds = array<i64: 128, 512>}, {pipeline_mode = #tpu.pipeline_mode<synchronous>, transform_indices = @transform_4, window_bounds = array<i64: 1, 512>}, {pipeline_mode = #tpu.pipeline_mode<synchronous>, transform_indices = @transform_5, window_bounds = array<i64: 1, 512>}, {transform_indices = @transform_6, window_bounds = array<i64: 1000, 512>}]} {
    %get3A = arith.constant 0 : index
    %get3A_0 = arith.constant 0 : index
    %get3A_1 = vector.load %arg3[%get3A, %get3A_0] : memref<1000x2xf32, #tpu.memory_space<vmem>>, vector<1000x1xf32>
    %get3A_2 = arith.constant 0 : index
    %get3A_3 = arith.constant 1 : index
    %get3A_4 = vector.load %arg3[%get3A_2, %get3A_3] : memref<1000x2xf32, #tpu.memory_space<vmem>>, vector<1000x1xf32>
    %add3A = arith.addf %get3A_1, %get3A_4 : vector<1000x1xf32>
    %add3A_5 = arith.constant 1.000000e+00 : f32
    %add3A_6 = vector.broadcast %add3A_5 : f32 to vector<1000x1xf32>
    %add3A_7 = arith.addf %add3A, %add3A_6 : vector<1000x1xf32>
    %get3A_8 = arith.constant 0 : index
    %get3A_9 = arith.constant 0 : index
    %get3A_10 = arith.constant 0 : index
    %get3A_11 = vector.load %arg1[%get3A_8, %get3A_9, %get3A_10] : memref<1x1000x128xf32, #tpu.memory_space<vmem>>, vector<1x1000x128xf32>
    %get3A_12 = vector.shape_cast %get3A_11 : vector<1x1000x128xf32> to vector<1000x128xf32>
    %get3A_13 = arith.constant 0 : index
    %get3A_14 = arith.constant 0 : index
    %get3A_15 = vector.load %arg2[%get3A_13, %get3A_14] : memref<1000x128xf32, #tpu.memory_space<vmem>>, vector<1000x128xf32>
    %add3A_16 = arith.addf %get3A_12, %get3A_15 : vector<1000x128xf32>
    %rsqrt3A = math.rsqrt %add3A_7 : vector<1000x1xf32>
    %mul3A = vector.broadcast %rsqrt3A : vector<1000x1xf32> to vector<1000x128xf32>
    %mul3A_17 = arith.mulf %add3A_16, %mul3A : vector<1000x128xf32>
    %get3A_18 = arith.constant 0 : index
    %get3A_19 = arith.constant 0 : index
    %get3A_20 = vector.load %arg4[%get3A_18, %get3A_19] : memref<128x512xf32, #tpu.memory_space<vmem>>, vector<128x512xf32>
    %dot_general3A = arith.constant dense<0.000000e+00> : vector<1000x512xf32>
    %dot_general3A_21 = tpu.matmul %mul3A_17, %get3A_20, %dot_general3A {dimension_numbers = #tpu.dot_dimension_numbers<[1], [0], [0], [1], [0, 0, 1, 1], [], []>, transpose_lhs_hint = false} : vector<1000x128xf32>, vector<128x512xf32>, vector<1000x512xf32> -> vector<1000x512xf32>
    %get3A_22 = arith.constant 0 : index
    %get3A_23 = arith.constant 0 : index
    %get3A_24 = vector.load %arg5[%get3A_22, %get3A_23] : memref<1x512xf32, #tpu.memory_space<vmem>>, vector<1x512xf32>
    %add3A_25 = vector.broadcast %get3A_24 : vector<1x512xf32> to vector<1000x512xf32>
    %add3A_26 = arith.addf %dot_general3A_21, %add3A_25 : vector<1000x512xf32>
    %gt3A = arith.constant 0.000000e+00 : f32
    %gt3A_27 = vector.broadcast %gt3A : f32 to vector<1000x512xf32>
    %gt3A_28 = arith.cmpf ogt, %add3A_26, %gt3A_27 : vector<1000x512xf32>
    %get3A_29 = arith.constant 0 : index
    %get3A_30 = arith.constant 0 : index
    %get3A_31 = vector.load %arg6[%get3A_29, %get3A_30] : memref<1x512xf32, #tpu.memory_space<vmem>>, vector<1x512xf32>
    %mul3A_32 = vector.broadcast %get3A_31 : vector<1x512xf32> to vector<1000x512xf32>
    %mul3A_33 = arith.mulf %mul3A_32, %add3A_26 : vector<1000x512xf32>
    %select_n3A = arith.select %gt3A_28, %add3A_26, %mul3A_33 : vector<1000x512xi1>, vector<1000x512xf32>
    %swap3A = arith.constant 0 : index
    %swap3A_34 = arith.constant 0 : index
    %swap3A_35 = vector.load %arg7[%swap3A, %swap3A_34] : memref<1000x512xf32, #tpu.memory_space<vmem>>, vector<1000x512xf32>
    tpu.vector_store %arg7[%swap3A, %swap3A_34], %select_n3A {strides = array<i32>} : memref<1000x512xf32, #tpu.memory_space<vmem>>, vector<1000x512xf32>,
    return
  }
  func.func @transform_0(%arg0: i32) -> (i32, i32, i32) {
    %jit3A = arith.constant 5 : i32
    %div3A = arith.divsi %arg0, %jit3A : i32
    %sign3A = arith.constant 0 : i32
    %sign3A_0 = arith.cmpi sgt, %arg0, %sign3A : i32
    %sign3A_1 = arith.extui %sign3A_0 : i1 to i32
    %sign3A_2 = arith.constant 0 : i32
    %sign3A_3 = arith.cmpi slt, %arg0, %sign3A_2 : i32
    %sign3A_4 = arith.extui %sign3A_3 : i1 to i32
    %sign3A_5 = arith.subi %sign3A_1, %sign3A_4 : i32
    %sign3A_6 = arith.constant 0 : i32
    %sign3A_7 = arith.cmpi sgt, %jit3A, %sign3A_6 : i32
    %sign3A_8 = arith.extui %sign3A_7 : i1 to i32
    %sign3A_9 = arith.constant 0 : i32
    %sign3A_10 = arith.cmpi slt, %jit3A, %sign3A_9 : i32
    %sign3A_11 = arith.extui %sign3A_10 : i1 to i32
    %sign3A_12 = arith.subi %sign3A_8, %sign3A_11 : i32
    %ne3A = arith.cmpi ne, %sign3A_5, %sign3A_12 : i32
    %rem3A = arith.remsi %arg0, %jit3A : i32
    %ne3A_13 = arith.constant 0 : i32
    %ne3A_14 = arith.cmpi ne, %rem3A, %ne3A_13 : i32
    %and3A = arith.andi %ne3A, %ne3A_14 : i1
    %sub3A = arith.constant 1 : i32
    %sub3A_15 = arith.subi %div3A, %sub3A : i32
    %select_n3A = arith.select %and3A, %sub3A_15, %div3A : i32
    %jit3A_16 = arith.constant 5 : i32
    %eq3A = arith.constant 0 : i32
    %eq3A_17 = arith.cmpi eq, %jit3A_16, %eq3A : i32
    %jit3A_18 = arith.constant 1 : i32
    %select_n3A_19 = arith.select %eq3A_17, %jit3A_18, %jit3A_16 : i32
    %rem3A_20 = arith.remsi %arg0, %select_n3A_19 : i32
    %ne3A_21 = arith.constant 0 : i32
    %ne3A_22 = arith.cmpi ne, %rem3A_20, %ne3A_21 : i32
    %lt3A = arith.constant 0 : i32
    %lt3A_23 = arith.cmpi slt, %rem3A_20, %lt3A : i32
    %lt3A_24 = arith.constant 0 : i32
    %lt3A_25 = arith.cmpi slt, %select_n3A_19, %lt3A_24 : i32
    %ne3A_26 = arith.xori %lt3A_23, %lt3A_25 : i1
    %and3A_27 = arith.andi %ne3A_26, %ne3A_22 : i1
    %add3A = arith.addi %rem3A_20, %select_n3A_19 : i32
    %select_n3A_28 = arith.select %and3A_27, %add3A, %rem3A_20 : i32
    %c0_i32 = arith.constant 0 : i32
    %c0_i32_29 = arith.constant 0 : i32
    return %select_n3A, %select_n3A_28, %c0_i32 : i32, i32, i32
  }
  func.func @transform_1(%arg0: i32) -> (i32, i32) {
    %c0_i32 = arith.constant 0 : i32
    %c0_i32_0 = arith.constant 0 : i32
    return %arg0, %c0_i32 : i32, i32
  }
  func.func @transform_2(%arg0: i32) -> (i32, i32) {
    %c0_i32 = arith.constant 0 : i32
    %c0_i32_0 = arith.constant 0 : i32
    return %arg0, %c0_i32 : i32, i32
  }
  func.func @transform_3(%arg0: i32) -> (i32, i32) {
    %c0_i32 = arith.constant 0 : i32
    %c0_i32_0 = arith.constant 0 : i32
    %c0_i32_1 = arith.constant 0 : i32
    return %c0_i32, %c0_i32_0 : i32, i32
  }
  func.func @transform_4(%arg0: i32) -> (i32, i32) {
    %c0_i32 = arith.constant 0 : i32
    %c0_i32_0 = arith.constant 0 : i32
    %c0_i32_1 = arith.constant 0 : i32
    return %c0_i32, %c0_i32_0 : i32, i32
  }
  func.func @transform_5(%arg0: i32) -> (i32, i32) {
    %c0_i32 = arith.constant 0 : i32
    %c0_i32_0 = arith.constant 0 : i32
    %c0_i32_1 = arith.constant 0 : i32
    return %c0_i32, %c0_i32_0 : i32, i32
  }
  func.func @transform_6(%arg0: i32) -> (i32, i32) {
    %c0_i32 = arith.constant 0 : i32
    %c0_i32_0 = arith.constant 0 : i32
    return %arg0, %c0_i32 : i32, i32
  }
}

</mosaic_0001>

<sc_bundles>
// kernel: kernel.6.cloned.1.call-start
scs
__scs_entry_jumppad:
0x0: {  	(pc) =	sbr.rel $0x88, $3  }
0x1: {  	(tag) =	ssettag $0x0;
	lr =	simm.s32 $0x1  }
0x2: {  	[smem:$0x3F9C] =	sst lr;
	_ =	strace $0xD0000000  }
0x3: {  	_ = 	snop  }
0x4: {  	_ = 	snop  }
0x5: {  	_ = 	snop  }
0x6: {  	_ = 	snop  }
0x7: {  	_ = 	snop  }
__scs_overlays_trampoline_lowered:
0x8: {  	[smem:$0x3FAB] =	sst s0  }
0x9: {  	[smem:$0x3FAC] =	sst s1  }
0xa: {  	[smem:$0x3FAD] =	sst s2  }
0xb: {  	[smem:$0x3FAE] =	sst s3  }
0xc: {  	[smem:$0x3FAF] =	sst s4  }
0xd: {  	[smem:$0x3FB0] =	sst s5  }
0xe: {  	[smem:$0x3FB1] =	sst s6  }
0xf: {  	[smem:$0x3FB2] =	sst s7  }
0x10: {  	[smem:$0x3FB3] =	sst s8  }
0x11: {  	[smem:$0x3FB4] =	sst s9;
	s0 =	simm.s32 @!p0 $0x0  }
0x12: {  	s1 =	sld [smem:$0x3F9A];
	s0 =	simm.s32 @p0 $0x1  }
0x13: {  	[smem:$0x3FB5] =	sst s0;
	s0 =	simm.s32 @!p1 $0x0  }
0x14: {  	s2 =	sld [smem:$0x3F99];
	s0 =	simm.s32 @p1 $0x1  }
0x15: {  	[smem:$0x3FB6] =	sst s0;
	s0 =	simm.s32 @!p2 $0x0  }
0x16: {  	s3 =	sld [smem:$0x3FDB];
	s0 =	simm.s32 @p2 $0x1  }
0x17: {  	s4 =	simm.s32 $0x1BF5;
	[smem:$0x3FB8] =	sst s0  }
0x18: {  	s0 =	sld [smem:$0x3F9B];
	_ =	swait.ge [sflag:s4], $0x0  }
0x19: {  	s7 =	sld [smem:$0x3F9C]  }
0x1a: {  	s8 =	sadd.s32 $0xFFFFE003, lr  }
0x1b: {  	s9 =	sadd.s32 $0xFFFFFEF7, lr;
	s5 =	simm.s32 $0xFFFFFFFF;
	p2 =	slt.u32 s8, $0xFFFFF086  }
0x1c: {  	p1 =	slt.u32 s9, $0xF7A;
	s5 =	simm.s32 @!p2 $0x0  }
0x1d: {  	s5 =	simm.s32 @p1 $0x1;
	p0 =	seq.s32 s7, s2  }
0x1e: {  	s7 =	smul.u32 @!p0 $0xF7A, s2;
	p2 =	seq.s32 @!p0 s5, $0x0  }
0x1f: {  	s9 =	smul.u32 $0xF7A, s1;
	s8 =	simm.s32 @!p0 $0x1BF5;
	p2 =	por !p2, p0  }
0x20: {  	[sflag:s8] =	ssyncset.s32 @!p0 $0xFFFFF086;
	s6 =	sadd.s32 @!p0 s3, s7;
	s7 =	simm.s32 @!p0 $0x108  }
0x21: {  	s3 =	sadd.s32 s3, s9;
	s6 =	sadd.s32 @!p0 $0x88, s6;
	s7 =	simm.s32 @p2 $0x1082  }
0x22: {  	[simem:s7], [sflag:s8] =	dma.local @!p0 [hbm:s6], $0xF7A  }
0x23: {  	s9 =	sor.u32 $0xD0000000, s2;
	s6 =	simm.s32 $0x108;
	_ =	swait.ge @!p0 [sflag:s8], $0x0  }
0x24: {  	s3 =	sadd.s32 $0x88, s3;
	s6 =	simm.s32 @!p1 $0x1082;
	[sflag:s4] =	ssyncset.s32 $0xFFFFF086  }
0x25: {  	[simem:s6], [sflag:s4] =	dma.local [hbm:s3], $0xF7A  }
0x26: {  	[smem:$0x3F9C] =	sst s1;
	(tag) =	ssettag s2;
	_ =	strace s9  }
0x27: {  	s1 =	sld [smem:$0x3FAC]  }
0x28: {  	s2 =	sld [smem:$0x3FAD]  }
0x29: {  	s4 =	sld [smem:$0x3FAF]  }
0x2a: {  	p0 =	seq.s32 s5, $0x0;
	s5 =	sld [smem:$0x3FB0]  }
0x2b: {  	s6 =	sld [smem:$0x3FB1]  }
0x2c: {  	s7 =	sld [smem:$0x3FB2]  }
0x2d: {  	s3 =	simm.s32 $0x108;
	s8 =	sld [smem:$0x3FB3]  }
0x2e: {  	s3 =	simm.s32 @!p0 $0x1082;
	s9 =	sld [smem:$0x3FB4]  }
0x2f: {  	lr =	sadd.s32 s0, s3;
	s0 =	sld [smem:$0x3FAB]  }
0x30: {  	s3 =	sld [smem:$0x3FAE]  }
0x31: {  	[smem:$0x3FB7] =	sst s10  }
0x32: {  	s10 =	sld [smem:$0x3FB5];
	_ =	sdelay $0x3  }
0x33: {  	p0 =	seq.s32 s10, $0x1;
	s10 =	sld [smem:$0x3FB7];
	_ =	sdelay $0x3  }
0x34: {  	[smem:$0x3FB7] =	sst s10  }
0x35: {  	s10 =	sld [smem:$0x3FB6];
	_ =	sdelay $0x3  }
0x36: {  	p1 =	seq.s32 s10, $0x1;
	s10 =	sld [smem:$0x3FB7];
	_ =	sdelay $0x3  }
0x37: {  	[smem:$0x3FB7] =	sst s10  }
0x38: {  	s10 =	sld [smem:$0x3FB8]  }
0x39: {  	_ = 	snop;
	(pc) =	sbr.ind lr, $3  }
0x3a: {  	_ = 	snop  }
0x3b: {  	_ = 	snop  }
0x3c: {  	p2 =	seq.s32 s10, $0x1;
	s10 =	sld [smem:$0x3FB7]  }
0x3d: {  	_ =	shalt  }
0x3e: {  	_ =	shalt  }
0x3f: {  	_ =	shalt  }
0x40: {  	_ =	shalt  }
0x41: {  	_ =	shalt  }
0x42: {  	_ =	shalt  }
0x43: {  	_ =	shalt  }
0x44: {  	_ =	shalt  }
0x45: {  	_ =	shalt  }
0x46: {  	_ =	shalt  }
0x47: {  	_ =	shalt  }
0x48: {  	_ =	shalt  }
0x49: {  	_ =	shalt  }
0x4a: {  	_ =	shalt  }
0x4b: {  	_ =	shalt  }
0x4c: {  	_ =	shalt  }
0x4d: {  	_ =	shalt  }
0x4e: {  	_ =	shalt  }
0x4f: {  	_ =	shalt  }
0x50: {  	_ =	shalt  }
0x51: {  	_ =	shalt  }
0x52: {  	_ =	shalt  }
0x53: {  	_ =	shalt  }
0x54: {  	_ =	shalt  }
0x55: {  	_ =	shalt  }
0x56: {  	_ =	shalt  }
0x57: {  	_ =	shalt  }
0x58: {  	_ =	shalt  }
0x59: {  	_ =	shalt  }
0x5a: {  	_ =	shalt  }
0x5b: {  	_ =	shalt  }
0x5c: {  	_ =	shalt  }
0x5d: {  	_ =	shalt  }
0x5e: {  	_ =	shalt  }
0x5f: {  	_ =	shalt  }
0x60: {  	_ =	shalt  }
0x61: {  	_ =	shalt  }
0x62: {  	_ =	shalt  }
0x63: {  	_ =	shalt  }
0x64: {  	_ =	shalt  }
0x65: {  	_ =	shalt  }
0x66: {  	_ =	shalt  }
0x67: {  	_ =	shalt  }
0x68: {  	_ =	shalt  }
0x69: {  	_ =	shalt  }
0x6a: {  	_ =	shalt  }
0x6b: {  	_ =	shalt  }
0x6c: {  	_ =	shalt  }
0x6d: {  	_ =	shalt  }
0x6e: {  	_ =	shalt  }
0x6f: {  	_ =	shalt  }
0x70: {  	_ =	shalt  }
0x71: {  	_ =	shalt  }
0x72: {  	_ =	shalt  }
0x73: {  	_ =	shalt  }
0x74: {  	_ =	shalt  }
0x75: {  	_ =	shalt  }
0x76: {  	_ =	shalt  }
0x77: {  	_ =	shalt  }
0x78: {  	_ =	shalt  }
0x79: {  	_ =	shalt  }
0x7a: {  	_ =	shalt  }
0x7b: {  	_ =	shalt  }
0x7c: {  	_ =	shalt  }
0x7d: {  	_ =	shalt  }
0x7e: {  	_ =	shalt  }
0x7f: {  	_ =	shalt  }
0x80: {  	_ =	shalt  }
0x81: {  	_ =	shalt  }
0x82: {  	_ =	shalt  }
0x83: {  	_ =	shalt  }
0x84: {  	_ =	shalt  }
0x85: {  	_ =	shalt  }
0x86: {  	_ =	shalt  }
0x87: {  	_ =	shalt  }
.Lfunc_end0:
.L_simem_size_0:
called_computation_lowered:
.L_overlay_start_0:
0x88: {  	s2 =	sld [smem:$0x3FD9]  }
0x89: {  	s3 =	sld [smem:$0x3FFE];
	_ =	sdelay $0x1  }
0x8a: {  	s1 =	srdreg.scid  }
0x8b: {  	s0 =	sand.u32 $0x1, s1  }
0x8c: {  	s17 =	sshll.u32 s0, $0xA;
	s2 =	sadd.s32 s3, s2  }
0x8d: {  	s2 =	sadd.s32 s2, s17  }
0x8e: {  	[smem:$0x3FC3] =	sst s2  }
0x8f: {  	_ = 	snop  }
0x90: {  	s2 =	sld [smem:$0x3FD0];
	(tm) =	ssettm $0x1  }
0x91: {  	s18 =	sld [smem:$0x3FFB];
	_ =	sdelay $0x3  }
0x92: {  	_ =	strace s18  }
0x93: {  	s3 =	sld [smem:$0x3FFC];
	_ =	sdelay $0x3  }
0x94: {  	_ =	strace s3  }
0x95: {  	s3 =	sld [smem:$0x3FFD];
	_ =	sdelay $0x3  }
0x96: {  	_ =	strace s3  }
0x97: {  	_ =	strace $0x8FFFFFFF  }
0x98: {  	s19 =	sld [smem:$0x3FDB];
	_ =	sdelay $0x1  }
0x99: {  	s4 =	simm.s32 $_scs_section_size  }
0x9a: {  	s5 =	simm.s32 $_size__tile_overlayer_lowered;
	s6 =	simm.s32 $_tile_overlayer_lowered  }
0x9b: {  	s22 =	simm.s32 $0x1BFF;
	s21 =	sshll.u32 s6, $0x1;
	s3 =	sadd.s32 s4, s19  }
0x9c: {  	s7 =	simm.s32 $0x0;
	s20 =	sshll.u32 s5, $0x1;
	s5 =	sadd.s32 s21, s3  }
0x9d: {  	[timem:s7], [sflag:s22] =	dma.local [hbm:s5], s20  }
0x9e: {  	_ =	swait.ge [sflag:s22], s20  }
0x9f: {  	s4 =	ssub.s32 $0x0, s20;
	[sflag:s22] =	ssyncset.done $0x0  }
0xa0: {  	[sflag:s22] =	ssyncadd.s32 s4;
	_ =	sdelay $0x1  }
0xa1: {  	s23 =	simm.s32 $0x1B8B  }
0xa2: {  	_ =	swait.ge [sflag:s23], $0x1  }
0xa3: {  	[sflag:s23] =	ssyncset.done $0x0  }
0xa4: {  	s25 =	simm.s32 $0x1B8E;
	s24 =	sld [smem:$0x3FFE];
	[sflag:s23] =	ssyncadd.s32 $0xFFFFFFFF  }
0xa5: {  	s26 =	simm.s32 $execute0_lowered;
	[smem:$0x3FD2] =	sst s25  }
0xa6: {  	s5 =	sshll.u32 s26, $0x1;
	_ =	strace $0x80000046;
	[dreg:$0x1] =	wrdreg $0xFFFFFFFF  }
0xa7: {  	s28 =	simm.s32 $_size_execute0_lowered;
	s3 =	sadd.s32 s3, s5;
	[dreg:$0x0] =	wrdreg $0x0  }
0xa8: {  	s5 =	sshll.u32 s28, $0x1;
	[dreg:$0x2] =	wrdreg s3  }
0xa9: {  	[dreg:$0x3] =	wrdreg s5  }
0xaa: {  	[dreg:$0x4] =	wrdreg $0xC0  }
0xab: {  	_ =	task [dreg:s7], $0x5FFFF  }
0xac: {  	[dreg:$0x1] =	wrdreg $0xFFFFFFFF  }
0xad: {  	[dreg:$0x0] =	wrdreg $0x60  }
0xae: {  	[dreg:$0x2] =	wrdreg s2  }
0xaf: {  	[dreg:$0x3] =	wrdreg s24  }
0xb0: {  	[dreg:$0x4] =	wrdreg $0x28800  }
0xb1: {  	[dreg:$0x5] =	wrdreg $0x9  }
0xb2: {  	_ =	task.clear_ibuf [dreg:s7], $0x6FFFF;
	_ =	strace $0x90000046  }
0xb3: {  	s29 =	simm.s32 $0x9;
	_ =	strace $0x80000048  }
0xb4: {  	_ =	swait.ge [sflag:s29], $0x1  }
0xb5: {  	[sflag:s29] =	ssyncadd.s32 $0xFFFFFFFF  }
0xb6: {  	_ =	strace $0x90000048  }
0xb7: {  	_ =	sfence  }
0xb8: {  	s30 =	sld [smem:$0x0];
	_ =	sdelay $0x2  }
0xb9: {  	s31 =	sshll.u32 s1, $0xD;
	s1 =	sshrl.u32 s1, $0x2  }
0xba: {  	s3 =	sand.u32 $0x4000, s31;
	s1 =	sadd.s32 s1, s30  }
0xbb: {  	s0 =	sor.u32 s3, s0;
	s1 =	sshll.u32 s1, $0x11  }
0xbc: {  	s0 =	sor.u32 s1, s0  }
0xbd: {  	s0 =	sadd.s32 $0x8F2B, s0  }
0xbe: {  	[sflag:s0] =	ssyncadd.remote.s32 $0x1  }
0xbf: {  	_ =	sfence.sel $0xFFFF  }
0xc0: {  	[dreg:$0x0] =	wrdreg $0xFFFFFFFF;
	(pc) =	sbr.abs _section_cstart, $3  }
0xc1: {  	[dreg:$0x1] =	wrdreg $0xFFFFFFFF  }
0xc2: {  	_ =	task.clear_ibuf [dreg:s7], $0x2FFFF;
	_ =	strace $0x9FFFFFFF  }
0xc3: {  	(tm) =	ssettm $0x7FFFFFFF  }
tec
execute0_lowered:
.L_overlay_start_1:
0x0: {  	(tag) =	ssettag $0x1  }
0x1: {  	s4 =	rddreg [dreg:$0x0]  }
0x2: {  	s5 =	rddreg [dreg:$0x1]  }
0x3: {  	s1 =	rddreg [dreg:$0x2];
	s2 =	srdreg.scid  }
0x4: {  	s0 =	rddreg [dreg:$0x3];
	s7 =	stileid.u32  }
0x5: {  	s11 =	simm.s32 $0x0;
	s3 =	sand.u32 $0x1, s2;
	s2 =	simm.s32 $0x0  }
0x6: {  	p0 =	sne.s32 s7, $0x0;
	s6 =	sshll.u32 s3, $0x4;
	[smem:$0x7FF] =	sst s2  }
0x7: {  	s8 =	ssub.s32 $0x2, s3;
	s3 =	sadd.s32 $0x1E00, s5;
	s30 =	sor.u32 s7, s6  }
0x8: {  	_ =	strace $0x80000047;
	s9 =	sshrl.u32 s8, $0x1;
	s5 =	sadd.s32 s6, s5  }
0x9: {  	s7 =	sshrl.u32 @!p0 s1, $0x3;
	s10 =	smul.u32 $0x500, s30;
	s31 =	ssub.s32 s8, s9  }
0xa: {  	s5 =	sadd.s32 $0x2400, s5;
	s8 =	simm.s32 $0x1;
	s9 =	simm.s32 $0x80  }
0xb: {  	v0 =	vimm.f32 $1.000000000e+00;
	s6 =	smax.u32 s31, $0x1;
	s4 =	sadd.s32 s4, s10;
	s10 =	simm.s32 $0x2800  }
.LBB2_1:
0xc: {  	s12 =	simm.s32 @!p0 $0x1C01  }
0xd: {  	[spmem:s7], [sflag:s12] =	dma.local @!p0 [hbm:s3], $0x4F0  }
0xe: {  	s12 =	simm.s32 @!p0 $0x1  }
0xf: {  	_ =	swait.ge @!p0 [sflag:s12], $0x4F0  }
0x10: {  	[sflag:s12] =	ssyncset.done @!p0 $0x0  }
0x11: {  	[sflag:s12] =	ssyncadd.s32 @!p0 $0xFFFFFB10  }
0x12: {  	[tilespmem:$0x2800] =	vst v0  }
0x13: {  	[tilespmem:$0x2810] =	vst v0  }
0x14: {  	[tilespmem:$0x2820] =	vst v0  }
0x15: {  	[tilespmem:$0x2830] =	vst v0  }
0x16: {  	[tilespmem:$0x2840] =	vst v0  }
0x17: {  	[tilespmem:$0x2850] =	vst v0  }
0x18: {  	[tilespmem:$0x2860] =	vst v0  }
0x19: {  	[tilespmem:$0x2870] =	vst v0  }
0x1a: {  	[tilespmem:s2], [sflag:$0x1] =	stream.linear.gather [hbm4b:s4+s2], $0x2800, $0x38;
	[tilespmem:$0x2AF8] =	vst v63  }
0x1b: {  	_ =	swait.ge [sflag:s8], $0x2800  }
0x1c: {  	[sflag:s8] =	ssyncset.done $0x0  }
0x1d: {  	[sflag:s8] =	ssyncadd.s32 $0xFFFFD800  }
0x1e: {  	s31 =	simm.s32 $0x0;
	[bflag:$0x0] =	sbarrier.arrive $0xFFFF  }
0x1f: {  	[spmem:s1] =	stream.indirect.scatter.add.f32 [tilespmem:s10], [sflag:$0x1], $0x1, s31, s9, $0xb8;
	[tilespmem:$0x2AF8] =	vst v63  }
0x20: {  	_ =	swait.ge [sflag:s8], $0x80  }
0x21: {  	s12 =	simm.s32 $0x200;
	[sflag:s8] =	ssyncset.done $0x0  }
.LBB2_2:
0x22: {  	s13 =	sshra.s32 s12, $0x2;
	[sflag:s8] =	ssyncadd.s32 $0xFFFFFF80;
	p1 =	sne.s32 s12, $0x9E00  }
0x23: {  	[spmem:s1] =	stream.indirect.scatter.add.f32 [tilespmem:s10], [sflag:$0x1], $0x1, s13, s9, $0xb8;
	[tilespmem:$0x2AF8] =	vst v63  }
.Ltmp0:
0x24: {  	_ = 	snop;
	(pc) =	sbr.rel @p1 .LBB2_2-.Ltmp0, $4  }
0x25: {  	_ = 	snop  }
0x26: {  	s12 =	sadd.s32 $0x200, s12  }
0x27: {  	_ =	swait.ge [sflag:s8], $0x80  }
0x28: {  	[sflag:s8] =	ssyncset.done $0x0  }
0x29: {  	[sflag:s8] =	ssyncadd.s32 $0xFFFFFF80;
	s12 =	simm.s32 @!p0 $0x1;
	s11 =	sadd.s32 $0x1, s11  }
0x2a: {  	s13 =	simm.s32 @!p0 $0x20;
	s14 =	simm.s32 @!p0 $0x10;
	p1 =	sne.s32 s11, s6  }
.Ltmp1:
0x2b: {  	s15 =	simm.s32 @!p0 $0x1C01;
	[bflag:$0x0] =	sbarrier.arrive $0xFFFF;
	(pc) =	sbr.rel @p1 .LBB2_1-.Ltmp1, $4  }
0x2c: {  	[hbm:s5@s13], [sflag:s15] =	dma.strided @!p0 [spmem:s7@s14], $0x4F0, s12, $0x10   }
0x2d: {  	_ =	swait.ge @!p0 [sflag:s12], $0x4F0  }
0x2e: {  	[sflag:s12] =	ssyncset.done @!p0 $0x0  }
0x2f: {  	[sflag:s12] =	ssyncadd.s32 @!p0 $0xFFFFFB10  }
0x30: {  	_ =	sfence.sel $0x180000  }
0x31: {  	[bflag:$0x0] =	sbarrier.arrive $0xFFFF  }
0x32: {  	_ =	strace $0x90000047  }
0x33: {  	s0 =	sadd.s32 @!p0 $0x100000, s0;
	[bflag:$0x2] =	sbarrier.arrive $0xFFFF  }
0x34: {  	[sflag:s0] =	ssyncadd.tile.s32 @!p0 $0x1;
	_ =	shalt  }
.Lfunc_end2:
_tile_overlayer_lowered:
.L_overlay_start_2:
0x35: {  	(tag) =	ssettag $0x2  }
0x36: {  	s0 =	rddreg [dreg:$0x0];
	s2 =	stileid.u32  }
0x37: {  	s1 =	rddreg [dreg:$0x1];
	p0 =	sne.s32 s2, $0x0  }
0x38: {  	s3 =	rddreg [dreg:$0x2];
	[bflag:$0x3] =	sbarrier.arrive $0xFFFF;
	s2 =	simm.s32 @!p0 $0x1C01  }
0x39: {  	[timem:s3], [sflag:s2] =	dma.local @!p0 [hbm:s0], s1  }
0x3a: {  	s0 =	simm.s32 @!p0 $0x1  }
0x3b: {  	_ =	swait.ge @!p0 [sflag:s0], s1  }
0x3c: {  	s1 =	ssub.s32 @!p0 $0x0, s1;
	[sflag:s0] =	ssyncset.done @!p0 $0x0  }
0x3d: {  	[sflag:s0] =	ssyncadd.s32 @!p0 s1  }
0x3e: {  	[bflag:$0x3] =	sbarrier.arrive $0xFFFF  }
0x3f: {  	_ =	shalt  }

// kernel: kernel.9.cloned.1.call-start
scs
__scs_entry_jumppad:
0x0: {  	(pc) =	sbr.rel $0x88, $3  }
0x1: {  	(tag) =	ssettag $0x0;
	lr =	simm.s32 $0x1  }
0x2: {  	[smem:$0x3F9C] =	sst lr;
	_ =	strace $0xD0000000  }
0x3: {  	_ = 	snop  }
0x4: {  	_ = 	snop  }
0x5: {  	_ = 	snop  }
0x6: {  	_ = 	snop  }
0x7: {  	_ = 	snop  }
__scs_overlays_trampoline_lowered:
0x8: {  	[smem:$0x3FAB] =	sst s0  }
0x9: {  	[smem:$0x3FAC] =	sst s1  }
0xa: {  	[smem:$0x3FAD] =	sst s2  }
0xb: {  	[smem:$0x3FAE] =	sst s3  }
0xc: {  	[smem:$0x3FAF] =	sst s4  }
0xd: {  	[smem:$0x3FB0] =	sst s5  }
0xe: {  	[smem:$0x3FB1] =	sst s6  }
0xf: {  	[smem:$0x3FB2] =	sst s7  }
0x10: {  	[smem:$0x3FB3] =	sst s8  }
0x11: {  	[smem:$0x3FB4] =	sst s9;
	s0 =	simm.s32 @!p0 $0x0  }
0x12: {  	s1 =	sld [smem:$0x3F9A];
	s0 =	simm.s32 @p0 $0x1  }
0x13: {  	[smem:$0x3FB5] =	sst s0;
	s0 =	simm.s32 @!p1 $0x0  }
0x14: {  	s2 =	sld [smem:$0x3F99];
	s0 =	simm.s32 @p1 $0x1  }
0x15: {  	[smem:$0x3FB6] =	sst s0;
	s0 =	simm.s32 @!p2 $0x0  }
0x16: {  	s3 =	sld [smem:$0x3FDB];
	s0 =	simm.s32 @p2 $0x1  }
0x17: {  	s4 =	simm.s32 $0x1BF5;
	[smem:$0x3FB8] =	sst s0  }
0x18: {  	s0 =	sld [smem:$0x3F9B];
	_ =	swait.ge [sflag:s4], $0x0  }
0x19: {  	s7 =	sld [smem:$0x3F9C]  }
0x1a: {  	s8 =	sadd.s32 $0xFFFFE003, lr  }
0x1b: {  	s9 =	sadd.s32 $0xFFFFFEF7, lr;
	s5 =	simm.s32 $0xFFFFFFFF;
	p2 =	slt.u32 s8, $0xFFFFF086  }
0x1c: {  	p1 =	slt.u32 s9, $0xF7A;
	s5 =	simm.s32 @!p2 $0x0  }
0x1d: {  	s5 =	simm.s32 @p1 $0x1;
	p0 =	seq.s32 s7, s2  }
0x1e: {  	s7 =	smul.u32 @!p0 $0xF7A, s2;
	p2 =	seq.s32 @!p0 s5, $0x0  }
0x1f: {  	s9 =	smul.u32 $0xF7A, s1;
	s8 =	simm.s32 @!p0 $0x1BF5;
	p2 =	por !p2, p0  }
0x20: {  	[sflag:s8] =	ssyncset.s32 @!p0 $0xFFFFF086;
	s6 =	sadd.s32 @!p0 s3, s7;
	s7 =	simm.s32 @!p0 $0x108  }
0x21: {  	s3 =	sadd.s32 s3, s9;
	s6 =	sadd.s32 @!p0 $0x88, s6;
	s7 =	simm.s32 @p2 $0x1082  }
0x22: {  	[simem:s7], [sflag:s8] =	dma.local @!p0 [hbm:s6], $0xF7A  }
0x23: {  	s9 =	sor.u32 $0xD0000000, s2;
	s6 =	simm.s32 $0x108;
	_ =	swait.ge @!p0 [sflag:s8], $0x0  }
0x24: {  	s3 =	sadd.s32 $0x88, s3;
	s6 =	simm.s32 @!p1 $0x1082;
	[sflag:s4] =	ssyncset.s32 $0xFFFFF086  }
0x25: {  	[simem:s6], [sflag:s4] =	dma.local [hbm:s3], $0xF7A  }
0x26: {  	[smem:$0x3F9C] =	sst s1;
	(tag) =	ssettag s2;
	_ =	strace s9  }
0x27: {  	s1 =	sld [smem:$0x3FAC]  }
0x28: {  	s2 =	sld [smem:$0x3FAD]  }
0x29: {  	s4 =	sld [smem:$0x3FAF]  }
0x2a: {  	p0 =	seq.s32 s5, $0x0;
	s5 =	sld [smem:$0x3FB0]  }
0x2b: {  	s6 =	sld [smem:$0x3FB1]  }
0x2c: {  	s7 =	sld [smem:$0x3FB2]  }
0x2d: {  	s3 =	simm.s32 $0x108;
	s8 =	sld [smem:$0x3FB3]  }
0x2e: {  	s3 =	simm.s32 @!p0 $0x1082;
	s9 =	sld [smem:$0x3FB4]  }
0x2f: {  	lr =	sadd.s32 s0, s3;
	s0 =	sld [smem:$0x3FAB]  }
0x30: {  	s3 =	sld [smem:$0x3FAE]  }
0x31: {  	[smem:$0x3FB7] =	sst s10  }
0x32: {  	s10 =	sld [smem:$0x3FB5];
	_ =	sdelay $0x3  }
0x33: {  	p0 =	seq.s32 s10, $0x1;
	s10 =	sld [smem:$0x3FB7];
	_ =	sdelay $0x3  }
0x34: {  	[smem:$0x3FB7] =	sst s10  }
0x35: {  	s10 =	sld [smem:$0x3FB6];
	_ =	sdelay $0x3  }
0x36: {  	p1 =	seq.s32 s10, $0x1;
	s10 =	sld [smem:$0x3FB7];
	_ =	sdelay $0x3  }
0x37: {  	[smem:$0x3FB7] =	sst s10  }
0x38: {  	s10 =	sld [smem:$0x3FB8]  }
0x39: {  	_ = 	snop;
	(pc) =	sbr.ind lr, $3  }
0x3a: {  	_ = 	snop  }
0x3b: {  	_ = 	snop  }
0x3c: {  	p2 =	seq.s32 s10, $0x1;
	s10 =	sld [smem:$0x3FB7]  }
0x3d: {  	_ =	shalt  }
0x3e: {  	_ =	shalt  }
0x3f: {  	_ =	shalt  }
0x40: {  	_ =	shalt  }
0x41: {  	_ =	shalt  }
0x42: {  	_ =	shalt  }
0x43: {  	_ =	shalt  }
0x44: {  	_ =	shalt  }
0x45: {  	_ =	shalt  }
0x46: {  	_ =	shalt  }
0x47: {  	_ =	shalt  }
0x48: {  	_ =	shalt  }
0x49: {  	_ =	shalt  }
0x4a: {  	_ =	shalt  }
0x4b: {  	_ =	shalt  }
0x4c: {  	_ =	shalt  }
0x4d: {  	_ =	shalt  }
0x4e: {  	_ =	shalt  }
0x4f: {  	_ =	shalt  }
0x50: {  	_ =	shalt  }
0x51: {  	_ =	shalt  }
0x52: {  	_ =	shalt  }
0x53: {  	_ =	shalt  }
0x54: {  	_ =	shalt  }
0x55: {  	_ =	shalt  }
0x56: {  	_ =	shalt  }
0x57: {  	_ =	shalt  }
0x58: {  	_ =	shalt  }
0x59: {  	_ =	shalt  }
0x5a: {  	_ =	shalt  }
0x5b: {  	_ =	shalt  }
0x5c: {  	_ =	shalt  }
0x5d: {  	_ =	shalt  }
0x5e: {  	_ =	shalt  }
0x5f: {  	_ =	shalt  }
0x60: {  	_ =	shalt  }
0x61: {  	_ =	shalt  }
0x62: {  	_ =	shalt  }
0x63: {  	_ =	shalt  }
0x64: {  	_ =	shalt  }
0x65: {  	_ =	shalt  }
0x66: {  	_ =	shalt  }
0x67: {  	_ =	shalt  }
0x68: {  	_ =	shalt  }
0x69: {  	_ =	shalt  }
0x6a: {  	_ =	shalt  }
0x6b: {  	_ =	shalt  }
0x6c: {  	_ =	shalt  }
0x6d: {  	_ =	shalt  }
0x6e: {  	_ =	shalt  }
0x6f: {  	_ =	shalt  }
0x70: {  	_ =	shalt  }
0x71: {  	_ =	shalt  }
0x72: {  	_ =	shalt  }
0x73: {  	_ =	shalt  }
0x74: {  	_ =	shalt  }
0x75: {  	_ =	shalt  }
0x76: {  	_ =	shalt  }
0x77: {  	_ =	shalt  }
0x78: {  	_ =	shalt  }
0x79: {  	_ =	shalt  }
0x7a: {  	_ =	shalt  }
0x7b: {  	_ =	shalt  }
0x7c: {  	_ =	shalt  }
0x7d: {  	_ =	shalt  }
0x7e: {  	_ =	shalt  }
0x7f: {  	_ =	shalt  }
0x80: {  	_ =	shalt  }
0x81: {  	_ =	shalt  }
0x82: {  	_ =	shalt  }
0x83: {  	_ =	shalt  }
0x84: {  	_ =	shalt  }
0x85: {  	_ =	shalt  }
0x86: {  	_ =	shalt  }
0x87: {  	_ =	shalt  }
.Lfunc_end0:
.L_simem_size_0:
called_computation.1_lowered:
.L_overlay_start_0:
0x88: {  	s2 =	sld [smem:$0x3FD9]  }
0x89: {  	s3 =	sld [smem:$0x3FFE];
	_ =	sdelay $0x1  }
0x8a: {  	s1 =	srdreg.scid  }
0x8b: {  	s0 =	sand.u32 $0x1, s1  }
0x8c: {  	s17 =	sshll.u32 s0, $0xA;
	s2 =	sadd.s32 s3, s2  }
0x8d: {  	s2 =	sadd.s32 s2, s17  }
0x8e: {  	[smem:$0x3FC3] =	sst s2  }
0x8f: {  	_ = 	snop  }
0x90: {  	s2 =	sld [smem:$0x3FD0];
	(tm) =	ssettm $0x1  }
0x91: {  	s18 =	sld [smem:$0x3FFB];
	_ =	sdelay $0x3  }
0x92: {  	_ =	strace s18  }
0x93: {  	s3 =	sld [smem:$0x3FFC];
	_ =	sdelay $0x3  }
0x94: {  	_ =	strace s3  }
0x95: {  	s3 =	sld [smem:$0x3FFD];
	_ =	sdelay $0x3  }
0x96: {  	_ =	strace s3  }
0x97: {  	_ =	strace $0x8FFFFFFF  }
0x98: {  	s19 =	sld [smem:$0x3FDB];
	_ =	sdelay $0x1  }
0x99: {  	s4 =	simm.s32 $_scs_section_size  }
0x9a: {  	s5 =	simm.s32 $_size__tile_overlayer_lowered;
	s6 =	simm.s32 $_tile_overlayer_lowered  }
0x9b: {  	s22 =	simm.s32 $0x1BFF;
	s21 =	sshll.u32 s6, $0x1;
	s3 =	sadd.s32 s4, s19  }
0x9c: {  	s7 =	simm.s32 $0x0;
	s20 =	sshll.u32 s5, $0x1;
	s5 =	sadd.s32 s21, s3  }
0x9d: {  	[timem:s7], [sflag:s22] =	dma.local [hbm:s5], s20  }
0x9e: {  	_ =	swait.ge [sflag:s22], s20  }
0x9f: {  	s4 =	ssub.s32 $0x0, s20;
	[sflag:s22] =	ssyncset.done $0x0  }
0xa0: {  	[sflag:s22] =	ssyncadd.s32 s4;
	_ =	sdelay $0x1  }
0xa1: {  	s23 =	simm.s32 $0x1B8B  }
0xa2: {  	_ =	swait.ge [sflag:s23], $0x1  }
0xa3: {  	[sflag:s23] =	ssyncset.done $0x0  }
0xa4: {  	s25 =	simm.s32 $0x1B8E;
	s24 =	sld [smem:$0x3FFE];
	[sflag:s23] =	ssyncadd.s32 $0xFFFFFFFF  }
0xa5: {  	s26 =	simm.s32 $execute0_lowered;
	[smem:$0x3FD2] =	sst s25  }
0xa6: {  	s5 =	sshll.u32 s26, $0x1;
	_ =	strace $0x80000049;
	[dreg:$0x1] =	wrdreg $0xFFFFFFFF  }
0xa7: {  	s28 =	simm.s32 $_size_execute0_lowered;
	s3 =	sadd.s32 s3, s5;
	[dreg:$0x0] =	wrdreg $0x0  }
0xa8: {  	s5 =	sshll.u32 s28, $0x1;
	[dreg:$0x2] =	wrdreg s3  }
0xa9: {  	[dreg:$0x3] =	wrdreg s5  }
0xaa: {  	[dreg:$0x4] =	wrdreg $0xC0  }
0xab: {  	_ =	task [dreg:s7], $0x5FFFF  }
0xac: {  	[dreg:$0x1] =	wrdreg $0xFFFFFFFF  }
0xad: {  	[dreg:$0x0] =	wrdreg $0x60  }
0xae: {  	[dreg:$0x2] =	wrdreg s24  }
0xaf: {  	[dreg:$0x3] =	wrdreg s2  }
0xb0: {  	[dreg:$0x4] =	wrdreg $0x160000  }
0xb1: {  	[dreg:$0x5] =	wrdreg $0x9  }
0xb2: {  	_ =	task.clear_ibuf [dreg:s7], $0x6FFFF;
	_ =	strace $0x90000049  }
0xb3: {  	s29 =	simm.s32 $0x9;
	_ =	strace $0x8000004B  }
0xb4: {  	_ =	swait.ge [sflag:s29], $0x1  }
0xb5: {  	[sflag:s29] =	ssyncadd.s32 $0xFFFFFFFF  }
0xb6: {  	_ =	strace $0x9000004B  }
0xb7: {  	_ =	sfence  }
0xb8: {  	s30 =	sld [smem:$0x0];
	_ =	sdelay $0x2  }
0xb9: {  	s31 =	sshll.u32 s1, $0xD;
	s1 =	sshrl.u32 s1, $0x2  }
0xba: {  	s3 =	sand.u32 $0x4000, s31;
	s1 =	sadd.s32 s1, s30  }
0xbb: {  	s0 =	sor.u32 s3, s0;
	s1 =	sshll.u32 s1, $0x11  }
0xbc: {  	s0 =	sor.u32 s1, s0  }
0xbd: {  	s0 =	sadd.s32 $0x8F2B, s0  }
0xbe: {  	[sflag:s0] =	ssyncadd.remote.s32 $0x1  }
0xbf: {  	_ =	sfence.sel $0xFFFF  }
0xc0: {  	[dreg:$0x0] =	wrdreg $0xFFFFFFFF;
	(pc) =	sbr.abs _section_cstart, $3  }
0xc1: {  	[dreg:$0x1] =	wrdreg $0xFFFFFFFF  }
0xc2: {  	_ =	task.clear_ibuf [dreg:s7], $0x2FFFF;
	_ =	strace $0x9FFFFFFF  }
0xc3: {  	(tm) =	ssettm $0x7FFFFFFF  }
tec
execute0_lowered:
.L_overlay_start_1:
0x0: {  	(tag) =	ssettag $0x1  }
0x1: {  	s4 =	rddreg [dreg:$0x0]  }
0x2: {  	s0 =	srdreg.scid;
	s7 =	rddreg [dreg:$0x1]  }
0x3: {  	s1 =	rddreg [dreg:$0x2];
	s8 =	stileid.u32;
	s2 =	simm.s32 $0x0  }
0x4: {  	s12 =	simm.s32 $0x80;
	s5 =	sand.u32 $0x1, s0;
	s0 =	rddreg [dreg:$0x3]  }
0x5: {  	s13 =	simm.s32 $0x0;
	[smem:$0x7FF] =	sst s2;
	p0 =	sne.s32 s8, $0x0  }
0x6: {  	s3 =	sshll.u32 s5, $0x4;
	_ =	strace $0x8000004A;
	s9 =	ssub.s32 $0x2, s5  }
0x7: {  	s11 =	smul.u32 $0x13980, s5;
	s3 =	sor.u32 s8, s3;
	s10 =	sshrl.u32 s9, $0x1  }
0x8: {  	s6 =	smul.u32 $0xA00, s3;
	s3 =	sadd.s32 $0x2AE00, s4;
	s9 =	ssub.s32 s9, s10  }
0x9: {  	s7 =	sadd.s32 s7, s11;
	s10 =	simm.s32 $0x7;
	s11 =	simm.s32 $0x5000  }
0xa: {  	s8 =	smax.u32 s9, $0x1;
	s9 =	sshrl.u32 @!p0 s1, $0x3;
	s6 =	sadd.s32 s6, s4  }
0xb: {  	s4 =	sadd.s32 $0x52000, s4;
	s5 =	sadd.s32 $0x2E00, s6;
	s6 =	sadd.s32 $0x16E00, s6  }
.LBB2_1:
0xc: {  	s14 =	simm.s32 @!p0 $0x1C07  }
0xd: {  	[spmem:s9], [sflag:s14] =	dma.local @!p0 [hbm:s4], $0x13980  }
0xe: {  	s14 =	simm.s32 @!p0 $0x7  }
0xf: {  	_ =	swait.ge @!p0 [sflag:s14], $0x13980  }
0x10: {  	[sflag:s14] =	ssyncset.done @!p0 $0x0  }
0x11: {  	[sflag:s14] =	ssyncadd.s32 @!p0 $0xFFFEC680  }
0x12: {  	[tilespmem:s2], [sflag:$0x7] =	stream.linear.gather [hbm4b:s5+s2], $0x4E80, $0x38;
	[tilespmem:$0x1FCC0] =	vst v63  }
0x13: {  	_ =	swait.ge [sflag:s10], $0x4E80  }
0x14: {  	[sflag:s10] =	ssyncset.done $0x0  }
0x15: {  	[sflag:s10] =	ssyncadd.s32 $0xFFFFB180  }
0x16: {  	[tilespmem:s11], [sflag:$0x7] =	stream.linear.gather [hbm4b:s6+s2], $0x4E80, $0x38;
	[tilespmem:$0x1FCC0] =	vst v63  }
0x17: {  	_ =	swait.ge [sflag:s10], $0x4E80  }
0x18: {  	[sflag:s10] =	ssyncset.done $0x0  }
0x19: {  	s15 =	simm.s32 $0x0;
	[sflag:s10] =	ssyncadd.s32 $0xFFFFB180  }
0x1a: {  	s16 =	simm.s32 $0x0;
	s14 =	simm.s32 $0x4F00;
	[bflag:$0x0] =	sbarrier.arrive $0xFFFF  }
.LBB2_2:
0x1b: {  	s17 =	smul.u32 $0xAB, s16;
	_ =	sdelay $0x1  }
0x1c: {  	s17 =	sshrl.u32 s17, $0x9  }
0x1d: {  	s17 =	sand.u32 $0x7F, s17  }
0x1e: {  	s17 =	smul.u32 $0x3, s17;
	_ =	sdelay $0x1  }
0x1f: {  	s17 =	ssub.s32 s16, s17  }
0x20: {  	p1 =	slt.u32 s16, $0x3;
	s17 =	sand.u32 $0xFF, s17  }
0x21: {  	s18 =	sadd.s32 @!p1 $0x4, s17  }
0x22: {  	p2 =	sgt.u32 @!p1 s16, $0x9C;
	_ =	swait.ge @!p1 [sflag:s18], $0x4000  }
0x23: {  	p2 =	por p1, !p2;
	[sflag:s18] =	ssyncset.done @!p1 $0x0  }
0x24: {  	[sflag:s18] =	ssyncadd.s32 @!p1 $0xFFFFC000;
	s18 =	sshll.u32 @p2 s17, $0xE  }
0x25: {  	s17 =	sadd.s32 @p2 $0x1, s17;
	s18 =	sadd.s32 @p2 $0xA000, s18  }
0x26: {  	[tilespmem:s18], [sflag:s17] =	stream.indirect.gather @p2 [hbm4b:s3+s12], $0x80, s15, s12, $0xb8;
	[tilespmem:$0x1FCC0] =	vst v63  }
0x27: {  	s17 =	sadd.s32 $0xFFFFFFFE, s16  }
0x28: {  	p1 =	sgt.u32 s17, $0x9C  }
0x29: {  	s18 =	smul.u32 @!p1 $0xAB, s17;
	_ =	sdelay $0x1  }
0x2a: {  	s18 =	sshrl.u32 @!p1 s18, $0x9  }
0x2b: {  	s18 =	sand.u32 @!p1 $0x7F, s18  }
0x2c: {  	s18 =	smul.u32 @!p1 $0x3, s18;
	_ =	sdelay $0x1  }
0x2d: {  	s17 =	ssub.s32 @!p1 s17, s18  }
0x2e: {  	s17 =	sand.u32 @!p1 $0xFF, s17  }
0x2f: {  	s18 =	sadd.s32 @!p1 $0x1, s17  }
0x30: {  	s16 =	sadd.s32 $0x1, s16;
	_ =	swait.ge @!p1 [sflag:s18], $0x4000  }
0x31: {  	s19 =	sshll.u32 @!p1 s17, $0xE;
	s17 =	sor.u32 @!p1 $0x4, s17;
	[sflag:s18] =	ssyncset.done @!p1 $0x0  }
0x32: {  	s19 =	sadd.s32 @!p1 $0xA000, s19;
	[sflag:s18] =	ssyncadd.s32 @!p1 $0xFFFFC000;
	s18 =	simm.s32 @!p1 $0x80  }
0x33: {  	[spmem:s1] =	stream.indirect.scatter.add.f32 @!p1 [tilespmem:s19], [sflag:s17], $0x80, s14, s18, $0xb8;
	[tilespmem:$0x1FCC0] =	vst v63  }
0x34: {  	p1 =	sne.s32 s16, $0xA0  }
.Ltmp0:
0x35: {  	_ = 	snop;
	(pc) =	sbr.rel @p1 .LBB2_2-.Ltmp0, $2  }
0x36: {  	_ =	sdelay $0x2  }
0x37: {  	s15 =	sadd.s32 $0x80, s15;
	s14 =	sadd.s32 $0x80, s14  }
0x38: {  	[bflag:$0x0] =	sbarrier.arrive $0xFFFF;
	s14 =	simm.s32 @!p0 $0x1C07;
	s13 =	sadd.s32 $0x1, s13  }
0x39: {  	[hbm:s7], [sflag:s14] =	dma.local @!p0 [spmem:s9], $0x13980  }
0x3a: {  	p1 =	sne.s32 s13, s8  }
.Ltmp1:
0x3b: {  	_ = 	snop;
	(pc) =	sbr.rel @p1 .LBB2_1-.Ltmp1, $4  }
0x3c: {  	s14 =	simm.s32 @!p0 $0x7  }
0x3d: {  	_ =	swait.ge @!p0 [sflag:s14], $0x13980  }
0x3e: {  	[sflag:s14] =	ssyncset.done @!p0 $0x0  }
0x3f: {  	[sflag:s14] =	ssyncadd.s32 @!p0 $0xFFFEC680  }
0x40: {  	_ =	sfence.sel $0x180000  }
0x41: {  	[bflag:$0x0] =	sbarrier.arrive $0xFFFF  }
0x42: {  	_ =	strace $0x9000004A  }
0x43: {  	s0 =	sadd.s32 @!p0 $0x100000, s0;
	[bflag:$0x2] =	sbarrier.arrive $0xFFFF  }
0x44: {  	[sflag:s0] =	ssyncadd.tile.s32 @!p0 $0x1;
	_ =	shalt  }
.Lfunc_end2:
_tile_overlayer_lowered:
.L_overlay_start_2:
0x45: {  	(tag) =	ssettag $0x2  }
0x46: {  	s0 =	rddreg [dreg:$0x0];
	s2 =	stileid.u32  }
0x47: {  	s1 =	rddreg [dreg:$0x1];
	p0 =	sne.s32 s2, $0x0  }
0x48: {  	s3 =	rddreg [dreg:$0x2];
	[bflag:$0x3] =	sbarrier.arrive $0xFFFF;
	s2 =	simm.s32 @!p0 $0x1C07  }
0x49: {  	[timem:s3], [sflag:s2] =	dma.local @!p0 [hbm:s0], s1  }
0x4a: {  	s0 =	simm.s32 @!p0 $0x7  }
0x4b: {  	_ =	swait.ge @!p0 [sflag:s0], s1  }
0x4c: {  	s1 =	ssub.s32 @!p0 $0x0, s1;
	[sflag:s0] =	ssyncset.done @!p0 $0x0  }
0x4d: {  	[sflag:s0] =	ssyncadd.s32 @!p0 s1  }
0x4e: {  	[bflag:$0x3] =	sbarrier.arrive $0xFFFF  }
0x4f: {  	_ =	shalt  }

</sc_bundles>
